<compile_context>
chip_gen: v7x
topology: tpu7x:2x2x1
jax: 0.10.2.dev20260603
libtpu: 0.0.44.dev20260713+nightly
codegen_flags: <defaults>
</compile_context>

<pallas_src>
import functools

import jax
import jax.numpy as jnp
from jax import lax
from jax.experimental import pallas as pl
from jax.experimental.pallas import tpu as pltpu
from jax.experimental.pallas import tpu_sc as plsc

HEAD_DIM = 256
B_TOTAL = 32768
NUM_CORES = 2
NUM_SUBCORES = 16
NUM_WORKERS = NUM_CORES * NUM_SUBCORES
B_PER_W = B_TOTAL // NUM_WORKERS
CHUNK = 128
N_CHUNKS = B_PER_W // CHUNK

_mesh = plsc.VectorSubcoreMesh(core_axis_name="c", subcore_axis_name="s")


@functools.partial(
    pl.kernel,
    mesh=_mesh,
    out_type=[
        jax.ShapeDtypeStruct((B_TOTAL, HEAD_DIM), jnp.float32),
        jax.ShapeDtypeStruct((B_TOTAL, HEAD_DIM), jnp.float32),
    ],
    scratch_types=[
        pltpu.VMEM((B_PER_W,), jnp.int32),
        pltpu.VMEM((CHUNK, HEAD_DIM), jnp.float32),
        pltpu.VMEM((CHUNK, HEAD_DIM), jnp.float32),
        pltpu.SemaphoreType.DMA,
    ],
)
def _rope_gather(cos_hbm, sin_hbm, idx_hbm, out_cos, out_sin,
                 idx_v, cos_v, sin_v, sem):
    wid = lax.axis_index("s") * NUM_CORES + lax.axis_index("c")
    base = wid * B_PER_W
    pltpu.sync_copy(idx_hbm.at[pl.ds(base, B_PER_W)], idx_v)
    for ci in range(N_CHUNKS):
        off = ci * CHUNK
        idx_c = idx_v.at[pl.ds(off, CHUNK)]
        g_cos = pltpu.async_copy(cos_hbm.at[idx_c], cos_v, sem)
        g_sin = pltpu.async_copy(sin_hbm.at[idx_c], sin_v, sem)
        g_cos.wait()
        g_sin.wait()
        pltpu.sync_copy(cos_v, out_cos.at[pl.ds(base + off, CHUNK)])
        pltpu.sync_copy(sin_v, out_sin.at[pl.ds(base + off, CHUNK)])


def kernel(x, position_ids, cos_cached, sin_cached):
    idx = position_ids.reshape(-1)
    cos, sin = _rope_gather(cos_cached, sin_cached, idx)
    out_shape = (*position_ids.shape, cos_cached.shape[-1])
    return (cos.reshape(out_shape).astype(x.dtype),
            sin.reshape(out_shape).astype(x.dtype))

# --- scband reference (transcript-rebuilt; emitter-appended) ---
"""Pipeline reference for scband-gemma4-rotary-embedding-30288109371936 (READ-ONLY COPY).

The authoritative reference and input builder live on the scoring server;
editing this copy changes nothing except your own understanding.
"""

import jax, jax.numpy as jnp
import numpy as np

HEAD_DIM = 256
MAX_POS = 131072
ROPE_THETA = 10000.0
BATCH = 4
SEQ = 8192


def _build_rope_cache():
    # rope_type='default' branch of _build_rope_cache for 'sliding_attention'
    dim = HEAD_DIM
    inv_freq = 1.0 / (ROPE_THETA ** (jnp.arange(0, dim, 2, dtype=jnp.float32) / dim))
    positions = jnp.arange(MAX_POS, dtype=jnp.float32)
    freqs = jnp.outer(positions, inv_freq)
    emb = jnp.concatenate((freqs, freqs), axis=-1)
    attention_scaling = 1.0
    return jnp.cos(emb) * attention_scaling, jnp.sin(emb) * attention_scaling


def setup_inputs(seed: int = 0) -> dict:
    key = jax.random.key(seed)
    k1, k2 = jax.random.split(key)
    x = jax.random.normal(k1, (BATCH, SEQ, HEAD_DIM), dtype=jnp.float32)
    position_ids = jax.random.randint(k2, (BATCH, SEQ), 0, MAX_POS, dtype=jnp.int32)
    cos_cached, sin_cached = _build_rope_cache()
    return {"x": x, "position_ids": position_ids, "cos_cached": cos_cached, "sin_cached": sin_cached}


def reference(x, position_ids, cos_cached, sin_cached):
    # forward: gather rows of pre-computed cos/sin caches at position_ids
    cos = jnp.take(cos_cached, position_ids, axis=0).astype(x.dtype)
    sin = jnp.take(sin_cached, position_ids, axis=0).astype(x.dtype)
    return (cos, sin)

if __name__ == "__main__":
    import jax
    _d = setup_inputs()
    print(jax.jit(kernel)(*tuple(_d.values())))

</pallas_src>

<mosaic_0001>
#map = affine_map<(d0, d1) -> (0, 0)>
#map1 = affine_map<(d0, d1) -> (0)>
module attributes {stable_mosaic.version = 14 : i64} {
  func.func @_rope_gather(%arg0: i32, %arg1: i32, %arg2: memref<131072x256xf32, #tpu.memory_space<hbm>>, %arg3: memref<131072x256xf32, #tpu.memory_space<hbm>>, %arg4: memref<32768xi32, #tpu.memory_space<hbm>>, %arg5: memref<32768x256xf32, #tpu.memory_space<hbm>>, %arg6: memref<32768x256xf32, #tpu.memory_space<hbm>>, %arg7: memref<1024xi32, #tpu.memory_space<vmem>>, %arg8: memref<128x256xf32, #tpu.memory_space<vmem>>, %arg9: memref<128x256xf32, #tpu.memory_space<vmem>>, %arg10: memref<!tpu.dma_semaphore, #tpu.memory_space<semaphore_mem>>) attributes {dimension_semantics = [#tpu.dimension_semantics<core_parallel>, #tpu.dimension_semantics<subcore_parallel>], iteration_bounds = array<i64: 2, 16>, scalar_prefetch = 0 : i64, scratch_operands = 4 : i64, tpu.core_type = #tpu.core_type<sc_vector_subcore>, window_params = [{transform_indices = #map}, {transform_indices = #map}, {transform_indices = #map1}, {transform_indices = #map}, {transform_indices = #map}]} {
    %mul3A = arith.constant 2 : i32
    %mul3A_0 = arith.muli %arg1, %mul3A : i32
    %add3A = arith.addi %mul3A_0, %arg0 : i32
    %mul3A_1 = arith.constant 1024 : i32
    %mul3A_2 = arith.muli %add3A, %mul3A_1 : i32
    "tpu.region"() ({
      %run_scoped3A = tpu.sem_alloc : memref<!tpu.dma_semaphore, #tpu.memory_space<semaphore_mem>>
      %dma_start3A_193 = tpu.memref_slice %arg4[%mul3A_2] : memref<32768xi32, #tpu.memory_space<hbm>> -> memref<1024xi32, #tpu.memory_space<hbm>>
      %dma_start3A_194 = tpu.memref_slice %arg4[%mul3A_2] : memref<32768xi32, #tpu.memory_space<hbm>> -> memref<1024xi32, #tpu.memory_space<hbm>>
      tpu.enqueue_dma source(%dma_start3A_194 : memref<1024xi32, #tpu.memory_space<hbm>>) target(%arg7 : memref<1024xi32, #tpu.memory_space<vmem>>) target_semaphore(%run_scoped3A : memref<!tpu.dma_semaphore, #tpu.memory_space<semaphore_mem>>)
      %dma_wait3A_195 = tpu.memref_slice %arg4[%mul3A_2] : memref<32768xi32, #tpu.memory_space<hbm>> -> memref<1024xi32, #tpu.memory_space<hbm>>
      %dma_wait3A_196 = tpu.memref_slice %arg4[%mul3A_2] : memref<32768xi32, #tpu.memory_space<hbm>> -> memref<1024xi32, #tpu.memory_space<hbm>>
      tpu.wait_dma2 semaphore(%run_scoped3A : memref<!tpu.dma_semaphore, #tpu.memory_space<semaphore_mem>>) src(%dma_wait3A_196 : memref<1024xi32, #tpu.memory_space<hbm>>) dst(%arg7 : memref<1024xi32, #tpu.memory_space<vmem>>)
      tpu.yield
    }) : () -> ()
    %dma_start3A = arith.constant 0 : i32
    %dma_start3A_3 = tpu.memref_slice %arg7[%dma_start3A] : memref<1024xi32, #tpu.memory_space<vmem>> -> memref<128xi32, #tpu.memory_space<vmem>>
    %dma_start3A_4 = arith.constant 0 : i32
    %dma_start3A_5 = arith.constant 0 : i32
    %dma_start3A_6 = tpu.memref_slice %arg2[%dma_start3A_4, %dma_start3A_5] : memref<131072x256xf32, #tpu.memory_space<hbm>> -> memref<131072x256xf32, #tpu.memory_space<hbm>>
    tpu.enqueue_indirect_dma source(%dma_start3A_6 : memref<131072x256xf32, #tpu.memory_space<hbm>>) target(%arg8 : memref<128x256xf32, #tpu.memory_space<vmem>>) offsets(%dma_start3A_3 : memref<128xi32, #tpu.memory_space<vmem>>) semaphore(%arg10 : memref<!tpu.dma_semaphore, #tpu.memory_space<semaphore_mem>>)
    %dma_start3A_7 = arith.constant 0 : i32
    %dma_start3A_8 = tpu.memref_slice %arg7[%dma_start3A_7] : memref<1024xi32, #tpu.memory_space<vmem>> -> memref<128xi32, #tpu.memory_space<vmem>>
    %dma_start3A_9 = arith.constant 0 : i32
    %dma_start3A_10 = arith.constant 0 : i32
    %dma_start3A_11 = tpu.memref_slice %arg3[%dma_start3A_9, %dma_start3A_10] : memref<131072x256xf32, #tpu.memory_space<hbm>> -> memref<131072x256xf32, #tpu.memory_space<hbm>>
    tpu.enqueue_indirect_dma source(%dma_start3A_11 : memref<131072x256xf32, #tpu.memory_space<hbm>>) target(%arg9 : memref<128x256xf32, #tpu.memory_space<vmem>>) offsets(%dma_start3A_8 : memref<128xi32, #tpu.memory_space<vmem>>) semaphore(%arg10 : memref<!tpu.dma_semaphore, #tpu.memory_space<semaphore_mem>>)
    %dma_wait3A = arith.constant 0 : i32
    %dma_wait3A_12 = tpu.memref_slice %arg7[%dma_wait3A] : memref<1024xi32, #tpu.memory_space<vmem>> -> memref<128xi32, #tpu.memory_space<vmem>>
    %dma_wait3A_13 = arith.constant 0 : i32
    %dma_wait3A_14 = arith.constant 0 : i32
    %dma_wait3A_15 = tpu.memref_slice %arg2[%dma_wait3A_13, %dma_wait3A_14] : memref<131072x256xf32, #tpu.memory_space<hbm>> -> memref<131072x256xf32, #tpu.memory_space<hbm>>
    tpu.wait_indirect_dma semaphore(%arg10 : memref<!tpu.dma_semaphore, #tpu.memory_space<semaphore_mem>>) src(%dma_wait3A_15 : memref<131072x256xf32, #tpu.memory_space<hbm>>) dst(%arg8 : memref<128x256xf32, #tpu.memory_space<vmem>>)
    %dma_wait3A_16 = arith.constant 0 : i32
    %dma_wait3A_17 = tpu.memref_slice %arg7[%dma_wait3A_16] : memref<1024xi32, #tpu.memory_space<vmem>> -> memref<128xi32, #tpu.memory_space<vmem>>
    %dma_wait3A_18 = arith.constant 0 : i32
    %dma_wait3A_19 = arith.constant 0 : i32
    %dma_wait3A_20 = tpu.memref_slice %arg3[%dma_wait3A_18, %dma_wait3A_19] : memref<131072x256xf32, #tpu.memory_space<hbm>> -> memref<131072x256xf32, #tpu.memory_space<hbm>>
    tpu.wait_indirect_dma semaphore(%arg10 : memref<!tpu.dma_semaphore, #tpu.memory_space<semaphore_mem>>) src(%dma_wait3A_20 : memref<131072x256xf32, #tpu.memory_space<hbm>>) dst(%arg9 : memref<128x256xf32, #tpu.memory_space<vmem>>)
    %add3A_21 = arith.constant 0 : i32
    %add3A_22 = arith.addi %mul3A_2, %add3A_21 : i32
    "tpu.region"() ({
      %run_scoped3A = tpu.sem_alloc : memref<!tpu.dma_semaphore, #tpu.memory_space<semaphore_mem>>
      %dma_start3A_193 = arith.constant 0 : i32
      %dma_start3A_194 = tpu.memref_slice %arg5[%add3A_22, %dma_start3A_193] : memref<32768x256xf32, #tpu.memory_space<hbm>> -> memref<128x256xf32, #tpu.memory_space<hbm>>
      %dma_start3A_195 = arith.constant 0 : i32
      %dma_start3A_196 = tpu.memref_slice %arg5[%add3A_22, %dma_start3A_195] : memref<32768x256xf32, #tpu.memory_space<hbm>> -> memref<128x256xf32, #tpu.memory_space<hbm>>
      tpu.enqueue_dma source(%arg8 : memref<128x256xf32, #tpu.memory_space<vmem>>) target(%dma_start3A_196 : memref<128x256xf32, #tpu.memory_space<hbm>>) target_semaphore(%run_scoped3A : memref<!tpu.dma_semaphore, #tpu.memory_space<semaphore_mem>>)
      %dma_wait3A_197 = arith.constant 0 : i32
      %dma_wait3A_198 = tpu.memref_slice %arg5[%add3A_22, %dma_wait3A_197] : memref<32768x256xf32, #tpu.memory_space<hbm>> -> memref<128x256xf32, #tpu.memory_space<hbm>>
      %dma_wait3A_199 = arith.constant 0 : i32
      %dma_wait3A_200 = tpu.memref_slice %arg5[%add3A_22, %dma_wait3A_199] : memref<32768x256xf32, #tpu.memory_space<hbm>> -> memref<128x256xf32, #tpu.memory_space<hbm>>
      tpu.wait_dma2 semaphore(%run_scoped3A : memref<!tpu.dma_semaphore, #tpu.memory_space<semaphore_mem>>) src(%arg8 : memref<128x256xf32, #tpu.memory_space<vmem>>) dst(%dma_wait3A_200 : memref<128x256xf32, #tpu.memory_space<hbm>>)
      tpu.yield
    }) : () -> ()
    %add3A_23 = arith.constant 0 : i32
    %add3A_24 = arith.addi %mul3A_2, %add3A_23 : i32
    "tpu.region"() ({
      %run_scoped3A = tpu.sem_alloc : memref<!tpu.dma_semaphore, #tpu.memory_space<semaphore_mem>>
      %dma_start3A_193 = arith.constant 0 : i32
      %dma_start3A_194 = tpu.memref_slice %arg6[%add3A_24, %dma_start3A_193] : memref<32768x256xf32, #tpu.memory_space<hbm>> -> memref<128x256xf32, #tpu.memory_space<hbm>>
      %dma_start3A_195 = arith.constant 0 : i32
      %dma_start3A_196 = tpu.memref_slice %arg6[%add3A_24, %dma_start3A_195] : memref<32768x256xf32, #tpu.memory_space<hbm>> -> memref<128x256xf32, #tpu.memory_space<hbm>>
      tpu.enqueue_dma source(%arg9 : memref<128x256xf32, #tpu.memory_space<vmem>>) target(%dma_start3A_196 : memref<128x256xf32, #tpu.memory_space<hbm>>) target_semaphore(%run_scoped3A : memref<!tpu.dma_semaphore, #tpu.memory_space<semaphore_mem>>)
      %dma_wait3A_197 = arith.constant 0 : i32
      %dma_wait3A_198 = tpu.memref_slice %arg6[%add3A_24, %dma_wait3A_197] : memref<32768x256xf32, #tpu.memory_space<hbm>> -> memref<128x256xf32, #tpu.memory_space<hbm>>
      %dma_wait3A_199 = arith.constant 0 : i32
      %dma_wait3A_200 = tpu.memref_slice %arg6[%add3A_24, %dma_wait3A_199] : memref<32768x256xf32, #tpu.memory_space<hbm>> -> memref<128x256xf32, #tpu.memory_space<hbm>>
      tpu.wait_dma2 semaphore(%run_scoped3A : memref<!tpu.dma_semaphore, #tpu.memory_space<semaphore_mem>>) src(%arg9 : memref<128x256xf32, #tpu.memory_space<vmem>>) dst(%dma_wait3A_200 : memref<128x256xf32, #tpu.memory_space<hbm>>)
      tpu.yield
    }) : () -> ()
    %dma_start3A_25 = arith.constant 128 : i32
    %dma_start3A_26 = tpu.memref_slice %arg7[%dma_start3A_25] : memref<1024xi32, #tpu.memory_space<vmem>> -> memref<128xi32, #tpu.memory_space<vmem>>
    %dma_start3A_27 = arith.constant 0 : i32
    %dma_start3A_28 = arith.constant 0 : i32
    %dma_start3A_29 = tpu.memref_slice %arg2[%dma_start3A_27, %dma_start3A_28] : memref<131072x256xf32, #tpu.memory_space<hbm>> -> memref<131072x256xf32, #tpu.memory_space<hbm>>
    tpu.enqueue_indirect_dma source(%dma_start3A_29 : memref<131072x256xf32, #tpu.memory_space<hbm>>) target(%arg8 : memref<128x256xf32, #tpu.memory_space<vmem>>) offsets(%dma_start3A_26 : memref<128xi32, #tpu.memory_space<vmem>>) semaphore(%arg10 : memref<!tpu.dma_semaphore, #tpu.memory_space<semaphore_mem>>)
    %dma_start3A_30 = arith.constant 128 : i32
    %dma_start3A_31 = tpu.memref_slice %arg7[%dma_start3A_30] : memref<1024xi32, #tpu.memory_space<vmem>> -> memref<128xi32, #tpu.memory_space<vmem>>
    %dma_start3A_32 = arith.constant 0 : i32
    %dma_start3A_33 = arith.constant 0 : i32
    %dma_start3A_34 = tpu.memref_slice %arg3[%dma_start3A_32, %dma_start3A_33] : memref<131072x256xf32, #tpu.memory_space<hbm>> -> memref<131072x256xf32, #tpu.memory_space<hbm>>
    tpu.enqueue_indirect_dma source(%dma_start3A_34 : memref<131072x256xf32, #tpu.memory_space<hbm>>) target(%arg9 : memref<128x256xf32, #tpu.memory_space<vmem>>) offsets(%dma_start3A_31 : memref<128xi32, #tpu.memory_space<vmem>>) semaphore(%arg10 : memref<!tpu.dma_semaphore, #tpu.memory_space<semaphore_mem>>)
    %dma_wait3A_35 = arith.constant 128 : i32
    %dma_wait3A_36 = tpu.memref_slice %arg7[%dma_wait3A_35] : memref<1024xi32, #tpu.memory_space<vmem>> -> memref<128xi32, #tpu.memory_space<vmem>>
    %dma_wait3A_37 = arith.constant 0 : i32
    %dma_wait3A_38 = arith.constant 0 : i32
    %dma_wait3A_39 = tpu.memref_slice %arg2[%dma_wait3A_37, %dma_wait3A_38] : memref<131072x256xf32, #tpu.memory_space<hbm>> -> memref<131072x256xf32, #tpu.memory_space<hbm>>
    tpu.wait_indirect_dma semaphore(%arg10 : memref<!tpu.dma_semaphore, #tpu.memory_space<semaphore_mem>>) src(%dma_wait3A_39 : memref<131072x256xf32, #tpu.memory_space<hbm>>) dst(%arg8 : memref<128x256xf32, #tpu.memory_space<vmem>>)
    %dma_wait3A_40 = arith.constant 128 : i32
    %dma_wait3A_41 = tpu.memref_slice %arg7[%dma_wait3A_40] : memref<1024xi32, #tpu.memory_space<vmem>> -> memref<128xi32, #tpu.memory_space<vmem>>
    %dma_wait3A_42 = arith.constant 0 : i32
    %dma_wait3A_43 = arith.constant 0 : i32
    %dma_wait3A_44 = tpu.memref_slice %arg3[%dma_wait3A_42, %dma_wait3A_43] : memref<131072x256xf32, #tpu.memory_space<hbm>> -> memref<131072x256xf32, #tpu.memory_space<hbm>>
    tpu.wait_indirect_dma semaphore(%arg10 : memref<!tpu.dma_semaphore, #tpu.memory_space<semaphore_mem>>) src(%dma_wait3A_44 : memref<131072x256xf32, #tpu.memory_space<hbm>>) dst(%arg9 : memref<128x256xf32, #tpu.memory_space<vmem>>)
    %add3A_45 = arith.constant 128 : i32
    %add3A_46 = arith.addi %mul3A_2, %add3A_45 : i32
    "tpu.region"() ({
      %run_scoped3A = tpu.sem_alloc : memref<!tpu.dma_semaphore, #tpu.memory_space<semaphore_mem>>
      %dma_start3A_193 = arith.constant 0 : i32
      %dma_start3A_194 = tpu.memref_slice %arg5[%add3A_46, %dma_start3A_193] : memref<32768x256xf32, #tpu.memory_space<hbm>> -> memref<128x256xf32, #tpu.memory_space<hbm>>
      %dma_start3A_195 = arith.constant 0 : i32
      %dma_start3A_196 = tpu.memref_slice %arg5[%add3A_46, %dma_start3A_195] : memref<32768x256xf32, #tpu.memory_space<hbm>> -> memref<128x256xf32, #tpu.memory_space<hbm>>
      tpu.enqueue_dma source(%arg8 : memref<128x256xf32, #tpu.memory_space<vmem>>) target(%dma_start3A_196 : memref<128x256xf32, #tpu.memory_space<hbm>>) target_semaphore(%run_scoped3A : memref<!tpu.dma_semaphore, #tpu.memory_space<semaphore_mem>>)
      %dma_wait3A_197 = arith.constant 0 : i32
      %dma_wait3A_198 = tpu.memref_slice %arg5[%add3A_46, %dma_wait3A_197] : memref<32768x256xf32, #tpu.memory_space<hbm>> -> memref<128x256xf32, #tpu.memory_space<hbm>>
      %dma_wait3A_199 = arith.constant 0 : i32
      %dma_wait3A_200 = tpu.memref_slice %arg5[%add3A_46, %dma_wait3A_199] : memref<32768x256xf32, #tpu.memory_space<hbm>> -> memref<128x256xf32, #tpu.memory_space<hbm>>
      tpu.wait_dma2 semaphore(%run_scoped3A : memref<!tpu.dma_semaphore, #tpu.memory_space<semaphore_mem>>) src(%arg8 : memref<128x256xf32, #tpu.memory_space<vmem>>) dst(%dma_wait3A_200 : memref<128x256xf32, #tpu.memory_space<hbm>>)
      tpu.yield
    }) : () -> ()
    %add3A_47 = arith.constant 128 : i32
    %add3A_48 = arith.addi %mul3A_2, %add3A_47 : i32
    "tpu.region"() ({
      %run_scoped3A = tpu.sem_alloc : memref<!tpu.dma_semaphore, #tpu.memory_space<semaphore_mem>>
      %dma_start3A_193 = arith.constant 0 : i32
      %dma_start3A_194 = tpu.memref_slice %arg6[%add3A_48, %dma_start3A_193] : memref<32768x256xf32, #tpu.memory_space<hbm>> -> memref<128x256xf32, #tpu.memory_space<hbm>>
      %dma_start3A_195 = arith.constant 0 : i32
      %dma_start3A_196 = tpu.memref_slice %arg6[%add3A_48, %dma_start3A_195] : memref<32768x256xf32, #tpu.memory_space<hbm>> -> memref<128x256xf32, #tpu.memory_space<hbm>>
      tpu.enqueue_dma source(%arg9 : memref<128x256xf32, #tpu.memory_space<vmem>>) target(%dma_start3A_196 : memref<128x256xf32, #tpu.memory_space<hbm>>) target_semaphore(%run_scoped3A : memref<!tpu.dma_semaphore, #tpu.memory_space<semaphore_mem>>)
      %dma_wait3A_197 = arith.constant 0 : i32
      %dma_wait3A_198 = tpu.memref_slice %arg6[%add3A_48, %dma_wait3A_197] : memref<32768x256xf32, #tpu.memory_space<hbm>> -> memref<128x256xf32, #tpu.memory_space<hbm>>
      %dma_wait3A_199 = arith.constant 0 : i32
      %dma_wait3A_200 = tpu.memref_slice %arg6[%add3A_48, %dma_wait3A_199] : memref<32768x256xf32, #tpu.memory_space<hbm>> -> memref<128x256xf32, #tpu.memory_space<hbm>>
      tpu.wait_dma2 semaphore(%run_scoped3A : memref<!tpu.dma_semaphore, #tpu.memory_space<semaphore_mem>>) src(%arg9 : memref<128x256xf32, #tpu.memory_space<vmem>>) dst(%dma_wait3A_200 : memref<128x256xf32, #tpu.memory_space<hbm>>)
      tpu.yield
    }) : () -> ()
    %dma_start3A_49 = arith.constant 256 : i32
    %dma_start3A_50 = tpu.memref_slice %arg7[%dma_start3A_49] : memref<1024xi32, #tpu.memory_space<vmem>> -> memref<128xi32, #tpu.memory_space<vmem>>
    %dma_start3A_51 = arith.constant 0 : i32
    %dma_start3A_52 = arith.constant 0 : i32
    %dma_start3A_53 = tpu.memref_slice %arg2[%dma_start3A_51, %dma_start3A_52] : memref<131072x256xf32, #tpu.memory_space<hbm>> -> memref<131072x256xf32, #tpu.memory_space<hbm>>
    tpu.enqueue_indirect_dma source(%dma_start3A_53 : memref<131072x256xf32, #tpu.memory_space<hbm>>) target(%arg8 : memref<128x256xf32, #tpu.memory_space<vmem>>) offsets(%dma_start3A_50 : memref<128xi32, #tpu.memory_space<vmem>>) semaphore(%arg10 : memref<!tpu.dma_semaphore, #tpu.memory_space<semaphore_mem>>)
    %dma_start3A_54 = arith.constant 256 : i32
    %dma_start3A_55 = tpu.memref_slice %arg7[%dma_start3A_54] : memref<1024xi32, #tpu.memory_space<vmem>> -> memref<128xi32, #tpu.memory_space<vmem>>
    %dma_start3A_56 = arith.constant 0 : i32
    %dma_start3A_57 = arith.constant 0 : i32
    %dma_start3A_58 = tpu.memref_slice %arg3[%dma_start3A_56, %dma_start3A_57] : memref<131072x256xf32, #tpu.memory_space<hbm>> -> memref<131072x256xf32, #tpu.memory_space<hbm>>
    tpu.enqueue_indirect_dma source(%dma_start3A_58 : memref<131072x256xf32, #tpu.memory_space<hbm>>) target(%arg9 : memref<128x256xf32, #tpu.memory_space<vmem>>) offsets(%dma_start3A_55 : memref<128xi32, #tpu.memory_space<vmem>>) semaphore(%arg10 : memref<!tpu.dma_semaphore, #tpu.memory_space<semaphore_mem>>)
    %dma_wait3A_59 = arith.constant 256 : i32
    %dma_wait3A_60 = tpu.memref_slice %arg7[%dma_wait3A_59] : memref<1024xi32, #tpu.memory_space<vmem>> -> memref<128xi32, #tpu.memory_space<vmem>>
    %dma_wait3A_61 = arith.constant 0 : i32
    %dma_wait3A_62 = arith.constant 0 : i32
    %dma_wait3A_63 = tpu.memref_slice %arg2[%dma_wait3A_61, %dma_wait3A_62] : memref<131072x256xf32, #tpu.memory_space<hbm>> -> memref<131072x256xf32, #tpu.memory_space<hbm>>
    tpu.wait_indirect_dma semaphore(%arg10 : memref<!tpu.dma_semaphore, #tpu.memory_space<semaphore_mem>>) src(%dma_wait3A_63 : memref<131072x256xf32, #tpu.memory_space<hbm>>) dst(%arg8 : memref<128x256xf32, #tpu.memory_space<vmem>>)
    %dma_wait3A_64 = arith.constant 256 : i32
    %dma_wait3A_65 = tpu.memref_slice %arg7[%dma_wait3A_64] : memref<1024xi32, #tpu.memory_space<vmem>> -> memref<128xi32, #tpu.memory_space<vmem>>
    %dma_wait3A_66 = arith.constant 0 : i32
    %dma_wait3A_67 = arith.constant 0 : i32
    %dma_wait3A_68 = tpu.memref_slice %arg3[%dma_wait3A_66, %dma_wait3A_67] : memref<131072x256xf32, #tpu.memory_space<hbm>> -> memref<131072x256xf32, #tpu.memory_space<hbm>>
    tpu.wait_indirect_dma semaphore(%arg10 : memref<!tpu.dma_semaphore, #tpu.memory_space<semaphore_mem>>) src(%dma_wait3A_68 : memref<131072x256xf32, #tpu.memory_space<hbm>>) dst(%arg9 : memref<128x256xf32, #tpu.memory_space<vmem>>)
    %add3A_69 = arith.constant 256 : i32
    %add3A_70 = arith.addi %mul3A_2, %add3A_69 : i32
    "tpu.region"() ({
      %run_scoped3A = tpu.sem_alloc : memref<!tpu.dma_semaphore, #tpu.memory_space<semaphore_mem>>
      %dma_start3A_193 = arith.constant 0 : i32
      %dma_start3A_194 = tpu.memref_slice %arg5[%add3A_70, %dma_start3A_193] : memref<32768x256xf32, #tpu.memory_space<hbm>> -> memref<128x256xf32, #tpu.memory_space<hbm>>
      %dma_start3A_195 = arith.constant 0 : i32
      %dma_start3A_196 = tpu.memref_slice %arg5[%add3A_70, %dma_start3A_195] : memref<32768x256xf32, #tpu.memory_space<hbm>> -> memref<128x256xf32, #tpu.memory_space<hbm>>
      tpu.enqueue_dma source(%arg8 : memref<128x256xf32, #tpu.memory_space<vmem>>) target(%dma_start3A_196 : memref<128x256xf32, #tpu.memory_space<hbm>>) target_semaphore(%run_scoped3A : memref<!tpu.dma_semaphore, #tpu.memory_space<semaphore_mem>>)
      %dma_wait3A_197 = arith.constant 0 : i32
      %dma_wait3A_198 = tpu.memref_slice %arg5[%add3A_70, %dma_wait3A_197] : memref<32768x256xf32, #tpu.memory_space<hbm>> -> memref<128x256xf32, #tpu.memory_space<hbm>>
      %dma_wait3A_199 = arith.constant 0 : i32
      %dma_wait3A_200 = tpu.memref_slice %arg5[%add3A_70, %dma_wait3A_199] : memref<32768x256xf32, #tpu.memory_space<hbm>> -> memref<128x256xf32, #tpu.memory_space<hbm>>
      tpu.wait_dma2 semaphore(%run_scoped3A : memref<!tpu.dma_semaphore, #tpu.memory_space<semaphore_mem>>) src(%arg8 : memref<128x256xf32, #tpu.memory_space<vmem>>) dst(%dma_wait3A_200 : memref<128x256xf32, #tpu.memory_space<hbm>>)
      tpu.yield
    }) : () -> ()
    %add3A_71 = arith.constant 256 : i32
    %add3A_72 = arith.addi %mul3A_2, %add3A_71 : i32
    "tpu.region"() ({
      %run_scoped3A = tpu.sem_alloc : memref<!tpu.dma_semaphore, #tpu.memory_space<semaphore_mem>>
      %dma_start3A_193 = arith.constant 0 : i32
      %dma_start3A_194 = tpu.memref_slice %arg6[%add3A_72, %dma_start3A_193] : memref<32768x256xf32, #tpu.memory_space<hbm>> -> memref<128x256xf32, #tpu.memory_space<hbm>>
      %dma_start3A_195 = arith.constant 0 : i32
      %dma_start3A_196 = tpu.memref_slice %arg6[%add3A_72, %dma_start3A_195] : memref<32768x256xf32, #tpu.memory_space<hbm>> -> memref<128x256xf32, #tpu.memory_space<hbm>>
      tpu.enqueue_dma source(%arg9 : memref<128x256xf32, #tpu.memory_space<vmem>>) target(%dma_start3A_196 : memref<128x256xf32, #tpu.memory_space<hbm>>) target_semaphore(%run_scoped3A : memref<!tpu.dma_semaphore, #tpu.memory_space<semaphore_mem>>)
      %dma_wait3A_197 = arith.constant 0 : i32
      %dma_wait3A_198 = tpu.memref_slice %arg6[%add3A_72, %dma_wait3A_197] : memref<32768x256xf32, #tpu.memory_space<hbm>> -> memref<128x256xf32, #tpu.memory_space<hbm>>
      %dma_wait3A_199 = arith.constant 0 : i32
      %dma_wait3A_200 = tpu.memref_slice %arg6[%add3A_72, %dma_wait3A_199] : memref<32768x256xf32, #tpu.memory_space<hbm>> -> memref<128x256xf32, #tpu.memory_space<hbm>>
      tpu.wait_dma2 semaphore(%run_scoped3A : memref<!tpu.dma_semaphore, #tpu.memory_space<semaphore_mem>>) src(%arg9 : memref<128x256xf32, #tpu.memory_space<vmem>>) dst(%dma_wait3A_200 : memref<128x256xf32, #tpu.memory_space<hbm>>)
      tpu.yield
    }) : () -> ()
    %dma_start3A_73 = arith.constant 384 : i32
    %dma_start3A_74 = tpu.memref_slice %arg7[%dma_start3A_73] : memref<1024xi32, #tpu.memory_space<vmem>> -> memref<128xi32, #tpu.memory_space<vmem>>
    %dma_start3A_75 = arith.constant 0 : i32
    %dma_start3A_76 = arith.constant 0 : i32
    %dma_start3A_77 = tpu.memref_slice %arg2[%dma_start3A_75, %dma_start3A_76] : memref<131072x256xf32, #tpu.memory_space<hbm>> -> memref<131072x256xf32, #tpu.memory_space<hbm>>
    tpu.enqueue_indirect_dma source(%dma_start3A_77 : memref<131072x256xf32, #tpu.memory_space<hbm>>) target(%arg8 : memref<128x256xf32, #tpu.memory_space<vmem>>) offsets(%dma_start3A_74 : memref<128xi32, #tpu.memory_space<vmem>>) semaphore(%arg10 : memref<!tpu.dma_semaphore, #tpu.memory_space<semaphore_mem>>)
    %dma_start3A_78 = arith.constant 384 : i32
    %dma_start3A_79 = tpu.memref_slice %arg7[%dma_start3A_78] : memref<1024xi32, #tpu.memory_space<vmem>> -> memref<128xi32, #tpu.memory_space<vmem>>
    %dma_start3A_80 = arith.constant 0 : i32
    %dma_start3A_81 = arith.constant 0 : i32
    %dma_start3A_82 = tpu.memref_slice %arg3[%dma_start3A_80, %dma_start3A_81] : memref<131072x256xf32, #tpu.memory_space<hbm>> -> memref<131072x256xf32, #tpu.memory_space<hbm>>
    tpu.enqueue_indirect_dma source(%dma_start3A_82 : memref<131072x256xf32, #tpu.memory_space<hbm>>) target(%arg9 : memref<128x256xf32, #tpu.memory_space<vmem>>) offsets(%dma_start3A_79 : memref<128xi32, #tpu.memory_space<vmem>>) semaphore(%arg10 : memref<!tpu.dma_semaphore, #tpu.memory_space<semaphore_mem>>)
    %dma_wait3A_83 = arith.constant 384 : i32
    %dma_wait3A_84 = tpu.memref_slice %arg7[%dma_wait3A_83] : memref<1024xi32, #tpu.memory_space<vmem>> -> memref<128xi32, #tpu.memory_space<vmem>>
    %dma_wait3A_85 = arith.constant 0 : i32
    %dma_wait3A_86 = arith.constant 0 : i32
    %dma_wait3A_87 = tpu.memref_slice %arg2[%dma_wait3A_85, %dma_wait3A_86] : memref<131072x256xf32, #tpu.memory_space<hbm>> -> memref<131072x256xf32, #tpu.memory_space<hbm>>
    tpu.wait_indirect_dma semaphore(%arg10 : memref<!tpu.dma_semaphore, #tpu.memory_space<semaphore_mem>>) src(%dma_wait3A_87 : memref<131072x256xf32, #tpu.memory_space<hbm>>) dst(%arg8 : memref<128x256xf32, #tpu.memory_space<vmem>>)
    %dma_wait3A_88 = arith.constant 384 : i32
    %dma_wait3A_89 = tpu.memref_slice %arg7[%dma_wait3A_88] : memref<1024xi32, #tpu.memory_space<vmem>> -> memref<128xi32, #tpu.memory_space<vmem>>
    %dma_wait3A_90 = arith.constant 0 : i32
    %dma_wait3A_91 = arith.constant 0 : i32
    %dma_wait3A_92 = tpu.memref_slice %arg3[%dma_wait3A_90, %dma_wait3A_91] : memref<131072x256xf32, #tpu.memory_space<hbm>> -> memref<131072x256xf32, #tpu.memory_space<hbm>>
    tpu.wait_indirect_dma semaphore(%arg10 : memref<!tpu.dma_semaphore, #tpu.memory_space<semaphore_mem>>) src(%dma_wait3A_92 : memref<131072x256xf32, #tpu.memory_space<hbm>>) dst(%arg9 : memref<128x256xf32, #tpu.memory_space<vmem>>)
    %add3A_93 = arith.constant 384 : i32
    %add3A_94 = arith.addi %mul3A_2, %add3A_93 : i32
    "tpu.region"() ({
      %run_scoped3A = tpu.sem_alloc : memref<!tpu.dma_semaphore, #tpu.memory_space<semaphore_mem>>
      %dma_start3A_193 = arith.constant 0 : i32
      %dma_start3A_194 = tpu.memref_slice %arg5[%add3A_94, %dma_start3A_193] : memref<32768x256xf32, #tpu.memory_space<hbm>> -> memref<128x256xf32, #tpu.memory_space<hbm>>
      %dma_start3A_195 = arith.constant 0 : i32
      %dma_start3A_196 = tpu.memref_slice %arg5[%add3A_94, %dma_start3A_195] : memref<32768x256xf32, #tpu.memory_space<hbm>> -> memref<128x256xf32, #tpu.memory_space<hbm>>
      tpu.enqueue_dma source(%arg8 : memref<128x256xf32, #tpu.memory_space<vmem>>) target(%dma_start3A_196 : memref<128x256xf32, #tpu.memory_space<hbm>>) target_semaphore(%run_scoped3A : memref<!tpu.dma_semaphore, #tpu.memory_space<semaphore_mem>>)
      %dma_wait3A_197 = arith.constant 0 : i32
      %dma_wait3A_198 = tpu.memref_slice %arg5[%add3A_94, %dma_wait3A_197] : memref<32768x256xf32, #tpu.memory_space<hbm>> -> memref<128x256xf32, #tpu.memory_space<hbm>>
      %dma_wait3A_199 = arith.constant 0 : i32
      %dma_wait3A_200 = tpu.memref_slice %arg5[%add3A_94, %dma_wait3A_199] : memref<32768x256xf32, #tpu.memory_space<hbm>> -> memref<128x256xf32, #tpu.memory_space<hbm>>
      tpu.wait_dma2 semaphore(%run_scoped3A : memref<!tpu.dma_semaphore, #tpu.memory_space<semaphore_mem>>) src(%arg8 : memref<128x256xf32, #tpu.memory_space<vmem>>) dst(%dma_wait3A_200 : memref<128x256xf32, #tpu.memory_space<hbm>>)
      tpu.yield
    }) : () -> ()
    %add3A_95 = arith.constant 384 : i32
    %add3A_96 = arith.addi %mul3A_2, %add3A_95 : i32
    "tpu.region"() ({
      %run_scoped3A = tpu.sem_alloc : memref<!tpu.dma_semaphore, #tpu.memory_space<semaphore_mem>>
      %dma_start3A_193 = arith.constant 0 : i32
      %dma_start3A_194 = tpu.memref_slice %arg6[%add3A_96, %dma_start3A_193] : memref<32768x256xf32, #tpu.memory_space<hbm>> -> memref<128x256xf32, #tpu.memory_space<hbm>>
      %dma_start3A_195 = arith.constant 0 : i32
      %dma_start3A_196 = tpu.memref_slice %arg6[%add3A_96, %dma_start3A_195] : memref<32768x256xf32, #tpu.memory_space<hbm>> -> memref<128x256xf32, #tpu.memory_space<hbm>>
      tpu.enqueue_dma source(%arg9 : memref<128x256xf32, #tpu.memory_space<vmem>>) target(%dma_start3A_196 : memref<128x256xf32, #tpu.memory_space<hbm>>) target_semaphore(%run_scoped3A : memref<!tpu.dma_semaphore, #tpu.memory_space<semaphore_mem>>)
      %dma_wait3A_197 = arith.constant 0 : i32
      %dma_wait3A_198 = tpu.memref_slice %arg6[%add3A_96, %dma_wait3A_197] : memref<32768x256xf32, #tpu.memory_space<hbm>> -> memref<128x256xf32, #tpu.memory_space<hbm>>
      %dma_wait3A_199 = arith.constant 0 : i32
      %dma_wait3A_200 = tpu.memref_slice %arg6[%add3A_96, %dma_wait3A_199] : memref<32768x256xf32, #tpu.memory_space<hbm>> -> memref<128x256xf32, #tpu.memory_space<hbm>>
      tpu.wait_dma2 semaphore(%run_scoped3A : memref<!tpu.dma_semaphore, #tpu.memory_space<semaphore_mem>>) src(%arg9 : memref<128x256xf32, #tpu.memory_space<vmem>>) dst(%dma_wait3A_200 : memref<128x256xf32, #tpu.memory_space<hbm>>)
      tpu.yield
    }) : () -> ()
    %dma_start3A_97 = arith.constant 512 : i32
    %dma_start3A_98 = tpu.memref_slice %arg7[%dma_start3A_97] : memref<1024xi32, #tpu.memory_space<vmem>> -> memref<128xi32, #tpu.memory_space<vmem>>
    %dma_start3A_99 = arith.constant 0 : i32
    %dma_start3A_100 = arith.constant 0 : i32
    %dma_start3A_101 = tpu.memref_slice %arg2[%dma_start3A_99, %dma_start3A_100] : memref<131072x256xf32, #tpu.memory_space<hbm>> -> memref<131072x256xf32, #tpu.memory_space<hbm>>
    tpu.enqueue_indirect_dma source(%dma_start3A_101 : memref<131072x256xf32, #tpu.memory_space<hbm>>) target(%arg8 : memref<128x256xf32, #tpu.memory_space<vmem>>) offsets(%dma_start3A_98 : memref<128xi32, #tpu.memory_space<vmem>>) semaphore(%arg10 : memref<!tpu.dma_semaphore, #tpu.memory_space<semaphore_mem>>)
    %dma_start3A_102 = arith.constant 512 : i32
    %dma_start3A_103 = tpu.memref_slice %arg7[%dma_start3A_102] : memref<1024xi32, #tpu.memory_space<vmem>> -> memref<128xi32, #tpu.memory_space<vmem>>
    %dma_start3A_104 = arith.constant 0 : i32
    %dma_start3A_105 = arith.constant 0 : i32
    %dma_start3A_106 = tpu.memref_slice %arg3[%dma_start3A_104, %dma_start3A_105] : memref<131072x256xf32, #tpu.memory_space<hbm>> -> memref<131072x256xf32, #tpu.memory_space<hbm>>
    tpu.enqueue_indirect_dma source(%dma_start3A_106 : memref<131072x256xf32, #tpu.memory_space<hbm>>) target(%arg9 : memref<128x256xf32, #tpu.memory_space<vmem>>) offsets(%dma_start3A_103 : memref<128xi32, #tpu.memory_space<vmem>>) semaphore(%arg10 : memref<!tpu.dma_semaphore, #tpu.memory_space<semaphore_mem>>)
    %dma_wait3A_107 = arith.constant 512 : i32
    %dma_wait3A_108 = tpu.memref_slice %arg7[%dma_wait3A_107] : memref<1024xi32, #tpu.memory_space<vmem>> -> memref<128xi32, #tpu.memory_space<vmem>>
    %dma_wait3A_109 = arith.constant 0 : i32
    %dma_wait3A_110 = arith.constant 0 : i32
    %dma_wait3A_111 = tpu.memref_slice %arg2[%dma_wait3A_109, %dma_wait3A_110] : memref<131072x256xf32, #tpu.memory_space<hbm>> -> memref<131072x256xf32, #tpu.memory_space<hbm>>
    tpu.wait_indirect_dma semaphore(%arg10 : memref<!tpu.dma_semaphore, #tpu.memory_space<semaphore_mem>>) src(%dma_wait3A_111 : memref<131072x256xf32, #tpu.memory_space<hbm>>) dst(%arg8 : memref<128x256xf32, #tpu.memory_space<vmem>>)
    %dma_wait3A_112 = arith.constant 512 : i32
    %dma_wait3A_113 = tpu.memref_slice %arg7[%dma_wait3A_112] : memref<1024xi32, #tpu.memory_space<vmem>> -> memref<128xi32, #tpu.memory_space<vmem>>
    %dma_wait3A_114 = arith.constant 0 : i32
    %dma_wait3A_115 = arith.constant 0 : i32
    %dma_wait3A_116 = tpu.memref_slice %arg3[%dma_wait3A_114, %dma_wait3A_115] : memref<131072x256xf32, #tpu.memory_space<hbm>> -> memref<131072x256xf32, #tpu.memory_space<hbm>>
    tpu.wait_indirect_dma semaphore(%arg10 : memref<!tpu.dma_semaphore, #tpu.memory_space<semaphore_mem>>) src(%dma_wait3A_116 : memref<131072x256xf32, #tpu.memory_space<hbm>>) dst(%arg9 : memref<128x256xf32, #tpu.memory_space<vmem>>)
    %add3A_117 = arith.constant 512 : i32
    %add3A_118 = arith.addi %mul3A_2, %add3A_117 : i32
    "tpu.region"() ({
      %run_scoped3A = tpu.sem_alloc : memref<!tpu.dma_semaphore, #tpu.memory_space<semaphore_mem>>
      %dma_start3A_193 = arith.constant 0 : i32
      %dma_start3A_194 = tpu.memref_slice %arg5[%add3A_118, %dma_start3A_193] : memref<32768x256xf32, #tpu.memory_space<hbm>> -> memref<128x256xf32, #tpu.memory_space<hbm>>
      %dma_start3A_195 = arith.constant 0 : i32
      %dma_start3A_196 = tpu.memref_slice %arg5[%add3A_118, %dma_start3A_195] : memref<32768x256xf32, #tpu.memory_space<hbm>> -> memref<128x256xf32, #tpu.memory_space<hbm>>
      tpu.enqueue_dma source(%arg8 : memref<128x256xf32, #tpu.memory_space<vmem>>) target(%dma_start3A_196 : memref<128x256xf32, #tpu.memory_space<hbm>>) target_semaphore(%run_scoped3A : memref<!tpu.dma_semaphore, #tpu.memory_space<semaphore_mem>>)
      %dma_wait3A_197 = arith.constant 0 : i32
      %dma_wait3A_198 = tpu.memref_slice %arg5[%add3A_118, %dma_wait3A_197] : memref<32768x256xf32, #tpu.memory_space<hbm>> -> memref<128x256xf32, #tpu.memory_space<hbm>>
      %dma_wait3A_199 = arith.constant 0 : i32
      %dma_wait3A_200 = tpu.memref_slice %arg5[%add3A_118, %dma_wait3A_199] : memref<32768x256xf32, #tpu.memory_space<hbm>> -> memref<128x256xf32, #tpu.memory_space<hbm>>
      tpu.wait_dma2 semaphore(%run_scoped3A : memref<!tpu.dma_semaphore, #tpu.memory_space<semaphore_mem>>) src(%arg8 : memref<128x256xf32, #tpu.memory_space<vmem>>) dst(%dma_wait3A_200 : memref<128x256xf32, #tpu.memory_space<hbm>>)
      tpu.yield
    }) : () -> ()
    %add3A_119 = arith.constant 512 : i32
    %add3A_120 = arith.addi %mul3A_2, %add3A_119 : i32
    "tpu.region"() ({
      %run_scoped3A = tpu.sem_alloc : memref<!tpu.dma_semaphore, #tpu.memory_space<semaphore_mem>>
      %dma_start3A_193 = arith.constant 0 : i32
      %dma_start3A_194 = tpu.memref_slice %arg6[%add3A_120, %dma_start3A_193] : memref<32768x256xf32, #tpu.memory_space<hbm>> -> memref<128x256xf32, #tpu.memory_space<hbm>>
      %dma_start3A_195 = arith.constant 0 : i32
      %dma_start3A_196 = tpu.memref_slice %arg6[%add3A_120, %dma_start3A_195] : memref<32768x256xf32, #tpu.memory_space<hbm>> -> memref<128x256xf32, #tpu.memory_space<hbm>>
      tpu.enqueue_dma source(%arg9 : memref<128x256xf32, #tpu.memory_space<vmem>>) target(%dma_start3A_196 : memref<128x256xf32, #tpu.memory_space<hbm>>) target_semaphore(%run_scoped3A : memref<!tpu.dma_semaphore, #tpu.memory_space<semaphore_mem>>)
      %dma_wait3A_197 = arith.constant 0 : i32
      %dma_wait3A_198 = tpu.memref_slice %arg6[%add3A_120, %dma_wait3A_197] : memref<32768x256xf32, #tpu.memory_space<hbm>> -> memref<128x256xf32, #tpu.memory_space<hbm>>
      %dma_wait3A_199 = arith.constant 0 : i32
      %dma_wait3A_200 = tpu.memref_slice %arg6[%add3A_120, %dma_wait3A_199] : memref<32768x256xf32, #tpu.memory_space<hbm>> -> memref<128x256xf32, #tpu.memory_space<hbm>>
      tpu.wait_dma2 semaphore(%run_scoped3A : memref<!tpu.dma_semaphore, #tpu.memory_space<semaphore_mem>>) src(%arg9 : memref<128x256xf32, #tpu.memory_space<vmem>>) dst(%dma_wait3A_200 : memref<128x256xf32, #tpu.memory_space<hbm>>)
      tpu.yield
    }) : () -> ()
    %dma_start3A_121 = arith.constant 640 : i32
    %dma_start3A_122 = tpu.memref_slice %arg7[%dma_start3A_121] : memref<1024xi32, #tpu.memory_space<vmem>> -> memref<128xi32, #tpu.memory_space<vmem>>
    %dma_start3A_123 = arith.constant 0 : i32
    %dma_start3A_124 = arith.constant 0 : i32
    %dma_start3A_125 = tpu.memref_slice %arg2[%dma_start3A_123, %dma_start3A_124] : memref<131072x256xf32, #tpu.memory_space<hbm>> -> memref<131072x256xf32, #tpu.memory_space<hbm>>
    tpu.enqueue_indirect_dma source(%dma_start3A_125 : memref<131072x256xf32, #tpu.memory_space<hbm>>) target(%arg8 : memref<128x256xf32, #tpu.memory_space<vmem>>) offsets(%dma_start3A_122 : memref<128xi32, #tpu.memory_space<vmem>>) semaphore(%arg10 : memref<!tpu.dma_semaphore, #tpu.memory_space<semaphore_mem>>)
    %dma_start3A_126 = arith.constant 640 : i32
    %dma_start3A_127 = tpu.memref_slice %arg7[%dma_start3A_126] : memref<1024xi32, #tpu.memory_space<vmem>> -> memref<128xi32, #tpu.memory_space<vmem>>
    %dma_start3A_128 = arith.constant 0 : i32
    %dma_start3A_129 = arith.constant 0 : i32
    %dma_start3A_130 = tpu.memref_slice %arg3[%dma_start3A_128, %dma_start3A_129] : memref<131072x256xf32, #tpu.memory_space<hbm>> -> memref<131072x256xf32, #tpu.memory_space<hbm>>
    tpu.enqueue_indirect_dma source(%dma_start3A_130 : memref<131072x256xf32, #tpu.memory_space<hbm>>) target(%arg9 : memref<128x256xf32, #tpu.memory_space<vmem>>) offsets(%dma_start3A_127 : memref<128xi32, #tpu.memory_space<vmem>>) semaphore(%arg10 : memref<!tpu.dma_semaphore, #tpu.memory_space<semaphore_mem>>)
    %dma_wait3A_131 = arith.constant 640 : i32
    %dma_wait3A_132 = tpu.memref_slice %arg7[%dma_wait3A_131] : memref<1024xi32, #tpu.memory_space<vmem>> -> memref<128xi32, #tpu.memory_space<vmem>>
    %dma_wait3A_133 = arith.constant 0 : i32
    %dma_wait3A_134 = arith.constant 0 : i32
    %dma_wait3A_135 = tpu.memref_slice %arg2[%dma_wait3A_133, %dma_wait3A_134] : memref<131072x256xf32, #tpu.memory_space<hbm>> -> memref<131072x256xf32, #tpu.memory_space<hbm>>
    tpu.wait_indirect_dma semaphore(%arg10 : memref<!tpu.dma_semaphore, #tpu.memory_space<semaphore_mem>>) src(%dma_wait3A_135 : memref<131072x256xf32, #tpu.memory_space<hbm>>) dst(%arg8 : memref<128x256xf32, #tpu.memory_space<vmem>>)
    %dma_wait3A_136 = arith.constant 640 : i32
    %dma_wait3A_137 = tpu.memref_slice %arg7[%dma_wait3A_136] : memref<1024xi32, #tpu.memory_space<vmem>> -> memref<128xi32, #tpu.memory_space<vmem>>
    %dma_wait3A_138 = arith.constant 0 : i32
    %dma_wait3A_139 = arith.constant 0 : i32
    %dma_wait3A_140 = tpu.memref_slice %arg3[%dma_wait3A_138, %dma_wait3A_139] : memref<131072x256xf32, #tpu.memory_space<hbm>> -> memref<131072x256xf32, #tpu.memory_space<hbm>>
    tpu.wait_indirect_dma semaphore(%arg10 : memref<!tpu.dma_semaphore, #tpu.memory_space<semaphore_mem>>) src(%dma_wait3A_140 : memref<131072x256xf32, #tpu.memory_space<hbm>>) dst(%arg9 : memref<128x256xf32, #tpu.memory_space<vmem>>)
    %add3A_141 = arith.constant 640 : i32
    %add3A_142 = arith.addi %mul3A_2, %add3A_141 : i32
    "tpu.region"() ({
      %run_scoped3A = tpu.sem_alloc : memref<!tpu.dma_semaphore, #tpu.memory_space<semaphore_mem>>
      %dma_start3A_193 = arith.constant 0 : i32
      %dma_start3A_194 = tpu.memref_slice %arg5[%add3A_142, %dma_start3A_193] : memref<32768x256xf32, #tpu.memory_space<hbm>> -> memref<128x256xf32, #tpu.memory_space<hbm>>
      %dma_start3A_195 = arith.constant 0 : i32
      %dma_start3A_196 = tpu.memref_slice %arg5[%add3A_142, %dma_start3A_195] : memref<32768x256xf32, #tpu.memory_space<hbm>> -> memref<128x256xf32, #tpu.memory_space<hbm>>
      tpu.enqueue_dma source(%arg8 : memref<128x256xf32, #tpu.memory_space<vmem>>) target(%dma_start3A_196 : memref<128x256xf32, #tpu.memory_space<hbm>>) target_semaphore(%run_scoped3A : memref<!tpu.dma_semaphore, #tpu.memory_space<semaphore_mem>>)
      %dma_wait3A_197 = arith.constant 0 : i32
      %dma_wait3A_198 = tpu.memref_slice %arg5[%add3A_142, %dma_wait3A_197] : memref<32768x256xf32, #tpu.memory_space<hbm>> -> memref<128x256xf32, #tpu.memory_space<hbm>>
      %dma_wait3A_199 = arith.constant 0 : i32
      %dma_wait3A_200 = tpu.memref_slice %arg5[%add3A_142, %dma_wait3A_199] : memref<32768x256xf32, #tpu.memory_space<hbm>> -> memref<128x256xf32, #tpu.memory_space<hbm>>
      tpu.wait_dma2 semaphore(%run_scoped3A : memref<!tpu.dma_semaphore, #tpu.memory_space<semaphore_mem>>) src(%arg8 : memref<128x256xf32, #tpu.memory_space<vmem>>) dst(%dma_wait3A_200 : memref<128x256xf32, #tpu.memory_space<hbm>>)
      tpu.yield
    }) : () -> ()
    %add3A_143 = arith.constant 640 : i32
    %add3A_144 = arith.addi %mul3A_2, %add3A_143 : i32
    "tpu.region"() ({
      %run_scoped3A = tpu.sem_alloc : memref<!tpu.dma_semaphore, #tpu.memory_space<semaphore_mem>>
      %dma_start3A_193 = arith.constant 0 : i32
      %dma_start3A_194 = tpu.memref_slice %arg6[%add3A_144, %dma_start3A_193] : memref<32768x256xf32, #tpu.memory_space<hbm>> -> memref<128x256xf32, #tpu.memory_space<hbm>>
      %dma_start3A_195 = arith.constant 0 : i32
      %dma_start3A_196 = tpu.memref_slice %arg6[%add3A_144, %dma_start3A_195] : memref<32768x256xf32, #tpu.memory_space<hbm>> -> memref<128x256xf32, #tpu.memory_space<hbm>>
      tpu.enqueue_dma source(%arg9 : memref<128x256xf32, #tpu.memory_space<vmem>>) target(%dma_start3A_196 : memref<128x256xf32, #tpu.memory_space<hbm>>) target_semaphore(%run_scoped3A : memref<!tpu.dma_semaphore, #tpu.memory_space<semaphore_mem>>)
      %dma_wait3A_197 = arith.constant 0 : i32
      %dma_wait3A_198 = tpu.memref_slice %arg6[%add3A_144, %dma_wait3A_197] : memref<32768x256xf32, #tpu.memory_space<hbm>> -> memref<128x256xf32, #tpu.memory_space<hbm>>
      %dma_wait3A_199 = arith.constant 0 : i32
      %dma_wait3A_200 = tpu.memref_slice %arg6[%add3A_144, %dma_wait3A_199] : memref<32768x256xf32, #tpu.memory_space<hbm>> -> memref<128x256xf32, #tpu.memory_space<hbm>>
      tpu.wait_dma2 semaphore(%run_scoped3A : memref<!tpu.dma_semaphore, #tpu.memory_space<semaphore_mem>>) src(%arg9 : memref<128x256xf32, #tpu.memory_space<vmem>>) dst(%dma_wait3A_200 : memref<128x256xf32, #tpu.memory_space<hbm>>)
      tpu.yield
    }) : () -> ()
    %dma_start3A_145 = arith.constant 768 : i32
    %dma_start3A_146 = tpu.memref_slice %arg7[%dma_start3A_145] : memref<1024xi32, #tpu.memory_space<vmem>> -> memref<128xi32, #tpu.memory_space<vmem>>
    %dma_start3A_147 = arith.constant 0 : i32
    %dma_start3A_148 = arith.constant 0 : i32
    %dma_start3A_149 = tpu.memref_slice %arg2[%dma_start3A_147, %dma_start3A_148] : memref<131072x256xf32, #tpu.memory_space<hbm>> -> memref<131072x256xf32, #tpu.memory_space<hbm>>
    tpu.enqueue_indirect_dma source(%dma_start3A_149 : memref<131072x256xf32, #tpu.memory_space<hbm>>) target(%arg8 : memref<128x256xf32, #tpu.memory_space<vmem>>) offsets(%dma_start3A_146 : memref<128xi32, #tpu.memory_space<vmem>>) semaphore(%arg10 : memref<!tpu.dma_semaphore, #tpu.memory_space<semaphore_mem>>)
    %dma_start3A_150 = arith.constant 768 : i32
    %dma_start3A_151 = tpu.memref_slice %arg7[%dma_start3A_150] : memref<1024xi32, #tpu.memory_space<vmem>> -> memref<128xi32, #tpu.memory_space<vmem>>
    %dma_start3A_152 = arith.constant 0 : i32
    %dma_start3A_153 = arith.constant 0 : i32
    %dma_start3A_154 = tpu.memref_slice %arg3[%dma_start3A_152, %dma_start3A_153] : memref<131072x256xf32, #tpu.memory_space<hbm>> -> memref<131072x256xf32, #tpu.memory_space<hbm>>
    tpu.enqueue_indirect_dma source(%dma_start3A_154 : memref<131072x256xf32, #tpu.memory_space<hbm>>) target(%arg9 : memref<128x256xf32, #tpu.memory_space<vmem>>) offsets(%dma_start3A_151 : memref<128xi32, #tpu.memory_space<vmem>>) semaphore(%arg10 : memref<!tpu.dma_semaphore, #tpu.memory_space<semaphore_mem>>)
    %dma_wait3A_155 = arith.constant 768 : i32
    %dma_wait3A_156 = tpu.memref_slice %arg7[%dma_wait3A_155] : memref<1024xi32, #tpu.memory_space<vmem>> -> memref<128xi32, #tpu.memory_space<vmem>>
    %dma_wait3A_157 = arith.constant 0 : i32
    %dma_wait3A_158 = arith.constant 0 : i32
    %dma_wait3A_159 = tpu.memref_slice %arg2[%dma_wait3A_157, %dma_wait3A_158] : memref<131072x256xf32, #tpu.memory_space<hbm>> -> memref<131072x256xf32, #tpu.memory_space<hbm>>
    tpu.wait_indirect_dma semaphore(%arg10 : memref<!tpu.dma_semaphore, #tpu.memory_space<semaphore_mem>>) src(%dma_wait3A_159 : memref<131072x256xf32, #tpu.memory_space<hbm>>) dst(%arg8 : memref<128x256xf32, #tpu.memory_space<vmem>>)
    %dma_wait3A_160 = arith.constant 768 : i32
    %dma_wait3A_161 = tpu.memref_slice %arg7[%dma_wait3A_160] : memref<1024xi32, #tpu.memory_space<vmem>> -> memref<128xi32, #tpu.memory_space<vmem>>
    %dma_wait3A_162 = arith.constant 0 : i32
    %dma_wait3A_163 = arith.constant 0 : i32
    %dma_wait3A_164 = tpu.memref_slice %arg3[%dma_wait3A_162, %dma_wait3A_163] : memref<131072x256xf32, #tpu.memory_space<hbm>> -> memref<131072x256xf32, #tpu.memory_space<hbm>>
    tpu.wait_indirect_dma semaphore(%arg10 : memref<!tpu.dma_semaphore, #tpu.memory_space<semaphore_mem>>) src(%dma_wait3A_164 : memref<131072x256xf32, #tpu.memory_space<hbm>>) dst(%arg9 : memref<128x256xf32, #tpu.memory_space<vmem>>)
    %add3A_165 = arith.constant 768 : i32
    %add3A_166 = arith.addi %mul3A_2, %add3A_165 : i32
    "tpu.region"() ({
      %run_scoped3A = tpu.sem_alloc : memref<!tpu.dma_semaphore, #tpu.memory_space<semaphore_mem>>
      %dma_start3A_193 = arith.constant 0 : i32
      %dma_start3A_194 = tpu.memref_slice %arg5[%add3A_166, %dma_start3A_193] : memref<32768x256xf32, #tpu.memory_space<hbm>> -> memref<128x256xf32, #tpu.memory_space<hbm>>
      %dma_start3A_195 = arith.constant 0 : i32
      %dma_start3A_196 = tpu.memref_slice %arg5[%add3A_166, %dma_start3A_195] : memref<32768x256xf32, #tpu.memory_space<hbm>> -> memref<128x256xf32, #tpu.memory_space<hbm>>
      tpu.enqueue_dma source(%arg8 : memref<128x256xf32, #tpu.memory_space<vmem>>) target(%dma_start3A_196 : memref<128x256xf32, #tpu.memory_space<hbm>>) target_semaphore(%run_scoped3A : memref<!tpu.dma_semaphore, #tpu.memory_space<semaphore_mem>>)
      %dma_wait3A_197 = arith.constant 0 : i32
      %dma_wait3A_198 = tpu.memref_slice %arg5[%add3A_166, %dma_wait3A_197] : memref<32768x256xf32, #tpu.memory_space<hbm>> -> memref<128x256xf32, #tpu.memory_space<hbm>>
      %dma_wait3A_199 = arith.constant 0 : i32
      %dma_wait3A_200 = tpu.memref_slice %arg5[%add3A_166, %dma_wait3A_199] : memref<32768x256xf32, #tpu.memory_space<hbm>> -> memref<128x256xf32, #tpu.memory_space<hbm>>
      tpu.wait_dma2 semaphore(%run_scoped3A : memref<!tpu.dma_semaphore, #tpu.memory_space<semaphore_mem>>) src(%arg8 : memref<128x256xf32, #tpu.memory_space<vmem>>) dst(%dma_wait3A_200 : memref<128x256xf32, #tpu.memory_space<hbm>>)
      tpu.yield
    }) : () -> ()
    %add3A_167 = arith.constant 768 : i32
    %add3A_168 = arith.addi %mul3A_2, %add3A_167 : i32
    "tpu.region"() ({
      %run_scoped3A = tpu.sem_alloc : memref<!tpu.dma_semaphore, #tpu.memory_space<semaphore_mem>>
      %dma_start3A_193 = arith.constant 0 : i32
      %dma_start3A_194 = tpu.memref_slice %arg6[%add3A_168, %dma_start3A_193] : memref<32768x256xf32, #tpu.memory_space<hbm>> -> memref<128x256xf32, #tpu.memory_space<hbm>>
      %dma_start3A_195 = arith.constant 0 : i32
      %dma_start3A_196 = tpu.memref_slice %arg6[%add3A_168, %dma_start3A_195] : memref<32768x256xf32, #tpu.memory_space<hbm>> -> memref<128x256xf32, #tpu.memory_space<hbm>>
      tpu.enqueue_dma source(%arg9 : memref<128x256xf32, #tpu.memory_space<vmem>>) target(%dma_start3A_196 : memref<128x256xf32, #tpu.memory_space<hbm>>) target_semaphore(%run_scoped3A : memref<!tpu.dma_semaphore, #tpu.memory_space<semaphore_mem>>)
      %dma_wait3A_197 = arith.constant 0 : i32
      %dma_wait3A_198 = tpu.memref_slice %arg6[%add3A_168, %dma_wait3A_197] : memref<32768x256xf32, #tpu.memory_space<hbm>> -> memref<128x256xf32, #tpu.memory_space<hbm>>
      %dma_wait3A_199 = arith.constant 0 : i32
      %dma_wait3A_200 = tpu.memref_slice %arg6[%add3A_168, %dma_wait3A_199] : memref<32768x256xf32, #tpu.memory_space<hbm>> -> memref<128x256xf32, #tpu.memory_space<hbm>>
      tpu.wait_dma2 semaphore(%run_scoped3A : memref<!tpu.dma_semaphore, #tpu.memory_space<semaphore_mem>>) src(%arg9 : memref<128x256xf32, #tpu.memory_space<vmem>>) dst(%dma_wait3A_200 : memref<128x256xf32, #tpu.memory_space<hbm>>)
      tpu.yield
    }) : () -> ()
    %dma_start3A_169 = arith.constant 896 : i32
    %dma_start3A_170 = tpu.memref_slice %arg7[%dma_start3A_169] : memref<1024xi32, #tpu.memory_space<vmem>> -> memref<128xi32, #tpu.memory_space<vmem>>
    %dma_start3A_171 = arith.constant 0 : i32
    %dma_start3A_172 = arith.constant 0 : i32
    %dma_start3A_173 = tpu.memref_slice %arg2[%dma_start3A_171, %dma_start3A_172] : memref<131072x256xf32, #tpu.memory_space<hbm>> -> memref<131072x256xf32, #tpu.memory_space<hbm>>
    tpu.enqueue_indirect_dma source(%dma_start3A_173 : memref<131072x256xf32, #tpu.memory_space<hbm>>) target(%arg8 : memref<128x256xf32, #tpu.memory_space<vmem>>) offsets(%dma_start3A_170 : memref<128xi32, #tpu.memory_space<vmem>>) semaphore(%arg10 : memref<!tpu.dma_semaphore, #tpu.memory_space<semaphore_mem>>)
    %dma_start3A_174 = arith.constant 896 : i32
    %dma_start3A_175 = tpu.memref_slice %arg7[%dma_start3A_174] : memref<1024xi32, #tpu.memory_space<vmem>> -> memref<128xi32, #tpu.memory_space<vmem>>
    %dma_start3A_176 = arith.constant 0 : i32
    %dma_start3A_177 = arith.constant 0 : i32
    %dma_start3A_178 = tpu.memref_slice %arg3[%dma_start3A_176, %dma_start3A_177] : memref<131072x256xf32, #tpu.memory_space<hbm>> -> memref<131072x256xf32, #tpu.memory_space<hbm>>
    tpu.enqueue_indirect_dma source(%dma_start3A_178 : memref<131072x256xf32, #tpu.memory_space<hbm>>) target(%arg9 : memref<128x256xf32, #tpu.memory_space<vmem>>) offsets(%dma_start3A_175 : memref<128xi32, #tpu.memory_space<vmem>>) semaphore(%arg10 : memref<!tpu.dma_semaphore, #tpu.memory_space<semaphore_mem>>)
    %dma_wait3A_179 = arith.constant 896 : i32
    %dma_wait3A_180 = tpu.memref_slice %arg7[%dma_wait3A_179] : memref<1024xi32, #tpu.memory_space<vmem>> -> memref<128xi32, #tpu.memory_space<vmem>>
    %dma_wait3A_181 = arith.constant 0 : i32
    %dma_wait3A_182 = arith.constant 0 : i32
    %dma_wait3A_183 = tpu.memref_slice %arg2[%dma_wait3A_181, %dma_wait3A_182] : memref<131072x256xf32, #tpu.memory_space<hbm>> -> memref<131072x256xf32, #tpu.memory_space<hbm>>
    tpu.wait_indirect_dma semaphore(%arg10 : memref<!tpu.dma_semaphore, #tpu.memory_space<semaphore_mem>>) src(%dma_wait3A_183 : memref<131072x256xf32, #tpu.memory_space<hbm>>) dst(%arg8 : memref<128x256xf32, #tpu.memory_space<vmem>>)
    %dma_wait3A_184 = arith.constant 896 : i32
    %dma_wait3A_185 = tpu.memref_slice %arg7[%dma_wait3A_184] : memref<1024xi32, #tpu.memory_space<vmem>> -> memref<128xi32, #tpu.memory_space<vmem>>
    %dma_wait3A_186 = arith.constant 0 : i32
    %dma_wait3A_187 = arith.constant 0 : i32
    %dma_wait3A_188 = tpu.memref_slice %arg3[%dma_wait3A_186, %dma_wait3A_187] : memref<131072x256xf32, #tpu.memory_space<hbm>> -> memref<131072x256xf32, #tpu.memory_space<hbm>>
    tpu.wait_indirect_dma semaphore(%arg10 : memref<!tpu.dma_semaphore, #tpu.memory_space<semaphore_mem>>) src(%dma_wait3A_188 : memref<131072x256xf32, #tpu.memory_space<hbm>>) dst(%arg9 : memref<128x256xf32, #tpu.memory_space<vmem>>)
    %add3A_189 = arith.constant 896 : i32
    %add3A_190 = arith.addi %mul3A_2, %add3A_189 : i32
    "tpu.region"() ({
      %run_scoped3A = tpu.sem_alloc : memref<!tpu.dma_semaphore, #tpu.memory_space<semaphore_mem>>
      %dma_start3A_193 = arith.constant 0 : i32
      %dma_start3A_194 = tpu.memref_slice %arg5[%add3A_190, %dma_start3A_193] : memref<32768x256xf32, #tpu.memory_space<hbm>> -> memref<128x256xf32, #tpu.memory_space<hbm>>
      %dma_start3A_195 = arith.constant 0 : i32
      %dma_start3A_196 = tpu.memref_slice %arg5[%add3A_190, %dma_start3A_195] : memref<32768x256xf32, #tpu.memory_space<hbm>> -> memref<128x256xf32, #tpu.memory_space<hbm>>
      tpu.enqueue_dma source(%arg8 : memref<128x256xf32, #tpu.memory_space<vmem>>) target(%dma_start3A_196 : memref<128x256xf32, #tpu.memory_space<hbm>>) target_semaphore(%run_scoped3A : memref<!tpu.dma_semaphore, #tpu.memory_space<semaphore_mem>>)
      %dma_wait3A_197 = arith.constant 0 : i32
      %dma_wait3A_198 = tpu.memref_slice %arg5[%add3A_190, %dma_wait3A_197] : memref<32768x256xf32, #tpu.memory_space<hbm>> -> memref<128x256xf32, #tpu.memory_space<hbm>>
      %dma_wait3A_199 = arith.constant 0 : i32
      %dma_wait3A_200 = tpu.memref_slice %arg5[%add3A_190, %dma_wait3A_199] : memref<32768x256xf32, #tpu.memory_space<hbm>> -> memref<128x256xf32, #tpu.memory_space<hbm>>
      tpu.wait_dma2 semaphore(%run_scoped3A : memref<!tpu.dma_semaphore, #tpu.memory_space<semaphore_mem>>) src(%arg8 : memref<128x256xf32, #tpu.memory_space<vmem>>) dst(%dma_wait3A_200 : memref<128x256xf32, #tpu.memory_space<hbm>>)
      tpu.yield
    }) : () -> ()
    %add3A_191 = arith.constant 896 : i32
    %add3A_192 = arith.addi %mul3A_2, %add3A_191 : i32
    "tpu.region"() ({
      %run_scoped3A = tpu.sem_alloc : memref<!tpu.dma_semaphore, #tpu.memory_space<semaphore_mem>>
      %dma_start3A_193 = arith.constant 0 : i32
      %dma_start3A_194 = tpu.memref_slice %arg6[%add3A_192, %dma_start3A_193] : memref<32768x256xf32, #tpu.memory_space<hbm>> -> memref<128x256xf32, #tpu.memory_space<hbm>>
      %dma_start3A_195 = arith.constant 0 : i32
      %dma_start3A_196 = tpu.memref_slice %arg6[%add3A_192, %dma_start3A_195] : memref<32768x256xf32, #tpu.memory_space<hbm>> -> memref<128x256xf32, #tpu.memory_space<hbm>>
      tpu.enqueue_dma source(%arg9 : memref<128x256xf32, #tpu.memory_space<vmem>>) target(%dma_start3A_196 : memref<128x256xf32, #tpu.memory_space<hbm>>) target_semaphore(%run_scoped3A : memref<!tpu.dma_semaphore, #tpu.memory_space<semaphore_mem>>)
      %dma_wait3A_197 = arith.constant 0 : i32
      %dma_wait3A_198 = tpu.memref_slice %arg6[%add3A_192, %dma_wait3A_197] : memref<32768x256xf32, #tpu.memory_space<hbm>> -> memref<128x256xf32, #tpu.memory_space<hbm>>
      %dma_wait3A_199 = arith.constant 0 : i32
      %dma_wait3A_200 = tpu.memref_slice %arg6[%add3A_192, %dma_wait3A_199] : memref<32768x256xf32, #tpu.memory_space<hbm>> -> memref<128x256xf32, #tpu.memory_space<hbm>>
      tpu.wait_dma2 semaphore(%run_scoped3A : memref<!tpu.dma_semaphore, #tpu.memory_space<semaphore_mem>>) src(%arg9 : memref<128x256xf32, #tpu.memory_space<vmem>>) dst(%dma_wait3A_200 : memref<128x256xf32, #tpu.memory_space<hbm>>)
      tpu.yield
    }) : () -> ()
    return
  }
}

</mosaic_0001>

<sc_bundles>
// kernel: kernel.3.cloned.1.call-start
scs
__scs_entry_jumppad:
0x0: {  	(pc) =	sbr.rel $0x88, $3  }
0x1: {  	(tag) =	ssettag $0x0;
	lr =	simm.s32 $0x1  }
0x2: {  	[smem:$0x3F9E] =	sst lr;
	_ =	strace $0xD0000000  }
0x3: {  	_ = 	snop  }
0x4: {  	_ = 	snop  }
0x5: {  	_ = 	snop  }
0x6: {  	_ = 	snop  }
0x7: {  	_ = 	snop  }
__scs_overlays_trampoline_lowered:
0x8: {  	[smem:$0x3FAD] =	sst s0  }
0x9: {  	[smem:$0x3FAE] =	sst s1  }
0xa: {  	[smem:$0x3FAF] =	sst s2  }
0xb: {  	[smem:$0x3FB0] =	sst s3  }
0xc: {  	[smem:$0x3FB1] =	sst s4  }
0xd: {  	[smem:$0x3FB2] =	sst s5  }
0xe: {  	[smem:$0x3FB3] =	sst s6  }
0xf: {  	[smem:$0x3FB4] =	sst s7  }
0x10: {  	[smem:$0x3FB5] =	sst s8  }
0x11: {  	[smem:$0x3FB6] =	sst s9;
	s0 =	simm.s32 @!p0 $0x0  }
0x12: {  	s1 =	sld [smem:$0x3F9C];
	s0 =	simm.s32 @p0 $0x1  }
0x13: {  	[smem:$0x3FB7] =	sst s0;
	s0 =	simm.s32 @!p1 $0x0  }
0x14: {  	s2 =	sld [smem:$0x3F9B];
	s0 =	simm.s32 @p1 $0x1  }
0x15: {  	[smem:$0x3FB8] =	sst s0;
	s0 =	simm.s32 @!p2 $0x0  }
0x16: {  	s3 =	sld [smem:$0x3FDB];
	s0 =	simm.s32 @p2 $0x1  }
0x17: {  	s4 =	simm.s32 $0x1BF5;
	[smem:$0x3FBA] =	sst s0  }
0x18: {  	s0 =	sld [smem:$0x3F9D];
	_ =	swait.ge [sflag:s4], $0x0  }
0x19: {  	s7 =	sld [smem:$0x3F9E]  }
0x1a: {  	s8 =	sadd.s32 $0xFFFFE003, lr  }
0x1b: {  	s9 =	sadd.s32 $0xFFFFFEF7, lr;
	s5 =	simm.s32 $0xFFFFFFFF;
	p2 =	slt.u32 s8, $0xFFFFF086  }
0x1c: {  	p1 =	slt.u32 s9, $0xF7A;
	s5 =	simm.s32 @!p2 $0x0  }
0x1d: {  	s5 =	simm.s32 @p1 $0x1;
	p0 =	seq.s32 s7, s2  }
0x1e: {  	s7 =	smul.u32 @!p0 $0xF7A, s2;
	p2 =	seq.s32 @!p0 s5, $0x0  }
0x1f: {  	s9 =	smul.u32 $0xF7A, s1;
	s8 =	simm.s32 @!p0 $0x1BF5;
	p2 =	por !p2, p0  }
0x20: {  	[sflag:s8] =	ssyncset.s32 @!p0 $0xFFFFF086;
	s6 =	sadd.s32 @!p0 s3, s7;
	s7 =	simm.s32 @!p0 $0x108  }
0x21: {  	s3 =	sadd.s32 s3, s9;
	s6 =	sadd.s32 @!p0 $0x88, s6;
	s7 =	simm.s32 @p2 $0x1082  }
0x22: {  	[simem:s7], [sflag:s8] =	dma.local @!p0 [hbm:s6], $0xF7A  }
0x23: {  	s9 =	sor.u32 $0xD0000000, s2;
	s6 =	simm.s32 $0x108;
	_ =	swait.ge @!p0 [sflag:s8], $0x0  }
0x24: {  	s3 =	sadd.s32 $0x88, s3;
	s6 =	simm.s32 @!p1 $0x1082;
	[sflag:s4] =	ssyncset.s32 $0xFFFFF086  }
0x25: {  	[simem:s6], [sflag:s4] =	dma.local [hbm:s3], $0xF7A  }
0x26: {  	[smem:$0x3F9E] =	sst s1;
	(tag) =	ssettag s2;
	_ =	strace s9  }
0x27: {  	s1 =	sld [smem:$0x3FAE]  }
0x28: {  	s2 =	sld [smem:$0x3FAF]  }
0x29: {  	s4 =	sld [smem:$0x3FB1]  }
0x2a: {  	p0 =	seq.s32 s5, $0x0;
	s5 =	sld [smem:$0x3FB2]  }
0x2b: {  	s6 =	sld [smem:$0x3FB3]  }
0x2c: {  	s7 =	sld [smem:$0x3FB4]  }
0x2d: {  	s3 =	simm.s32 $0x108;
	s8 =	sld [smem:$0x3FB5]  }
0x2e: {  	s3 =	simm.s32 @!p0 $0x1082;
	s9 =	sld [smem:$0x3FB6]  }
0x2f: {  	lr =	sadd.s32 s0, s3;
	s0 =	sld [smem:$0x3FAD]  }
0x30: {  	s3 =	sld [smem:$0x3FB0]  }
0x31: {  	[smem:$0x3FB9] =	sst s10  }
0x32: {  	s10 =	sld [smem:$0x3FB7];
	_ =	sdelay $0x3  }
0x33: {  	p0 =	seq.s32 s10, $0x1;
	s10 =	sld [smem:$0x3FB9];
	_ =	sdelay $0x3  }
0x34: {  	[smem:$0x3FB9] =	sst s10  }
0x35: {  	s10 =	sld [smem:$0x3FB8];
	_ =	sdelay $0x3  }
0x36: {  	p1 =	seq.s32 s10, $0x1;
	s10 =	sld [smem:$0x3FB9];
	_ =	sdelay $0x3  }
0x37: {  	[smem:$0x3FB9] =	sst s10  }
0x38: {  	s10 =	sld [smem:$0x3FBA]  }
0x39: {  	_ = 	snop;
	(pc) =	sbr.ind lr, $3  }
0x3a: {  	_ = 	snop  }
0x3b: {  	_ = 	snop  }
0x3c: {  	p2 =	seq.s32 s10, $0x1;
	s10 =	sld [smem:$0x3FB9]  }
0x3d: {  	_ =	shalt  }
0x3e: {  	_ =	shalt  }
0x3f: {  	_ =	shalt  }
0x40: {  	_ =	shalt  }
0x41: {  	_ =	shalt  }
0x42: {  	_ =	shalt  }
0x43: {  	_ =	shalt  }
0x44: {  	_ =	shalt  }
0x45: {  	_ =	shalt  }
0x46: {  	_ =	shalt  }
0x47: {  	_ =	shalt  }
0x48: {  	_ =	shalt  }
0x49: {  	_ =	shalt  }
0x4a: {  	_ =	shalt  }
0x4b: {  	_ =	shalt  }
0x4c: {  	_ =	shalt  }
0x4d: {  	_ =	shalt  }
0x4e: {  	_ =	shalt  }
0x4f: {  	_ =	shalt  }
0x50: {  	_ =	shalt  }
0x51: {  	_ =	shalt  }
0x52: {  	_ =	shalt  }
0x53: {  	_ =	shalt  }
0x54: {  	_ =	shalt  }
0x55: {  	_ =	shalt  }
0x56: {  	_ =	shalt  }
0x57: {  	_ =	shalt  }
0x58: {  	_ =	shalt  }
0x59: {  	_ =	shalt  }
0x5a: {  	_ =	shalt  }
0x5b: {  	_ =	shalt  }
0x5c: {  	_ =	shalt  }
0x5d: {  	_ =	shalt  }
0x5e: {  	_ =	shalt  }
0x5f: {  	_ =	shalt  }
0x60: {  	_ =	shalt  }
0x61: {  	_ =	shalt  }
0x62: {  	_ =	shalt  }
0x63: {  	_ =	shalt  }
0x64: {  	_ =	shalt  }
0x65: {  	_ =	shalt  }
0x66: {  	_ =	shalt  }
0x67: {  	_ =	shalt  }
0x68: {  	_ =	shalt  }
0x69: {  	_ =	shalt  }
0x6a: {  	_ =	shalt  }
0x6b: {  	_ =	shalt  }
0x6c: {  	_ =	shalt  }
0x6d: {  	_ =	shalt  }
0x6e: {  	_ =	shalt  }
0x6f: {  	_ =	shalt  }
0x70: {  	_ =	shalt  }
0x71: {  	_ =	shalt  }
0x72: {  	_ =	shalt  }
0x73: {  	_ =	shalt  }
0x74: {  	_ =	shalt  }
0x75: {  	_ =	shalt  }
0x76: {  	_ =	shalt  }
0x77: {  	_ =	shalt  }
0x78: {  	_ =	shalt  }
0x79: {  	_ =	shalt  }
0x7a: {  	_ =	shalt  }
0x7b: {  	_ =	shalt  }
0x7c: {  	_ =	shalt  }
0x7d: {  	_ =	shalt  }
0x7e: {  	_ =	shalt  }
0x7f: {  	_ =	shalt  }
0x80: {  	_ =	shalt  }
0x81: {  	_ =	shalt  }
0x82: {  	_ =	shalt  }
0x83: {  	_ =	shalt  }
0x84: {  	_ =	shalt  }
0x85: {  	_ =	shalt  }
0x86: {  	_ =	shalt  }
0x87: {  	_ =	shalt  }
.Lfunc_end0:
.L_simem_size_0:
called_computation_lowered:
.L_overlay_start_0:
0x88: {  	s2 =	sld [smem:$0x3FD9]  }
0x89: {  	s3 =	sld [smem:$0x3FFE];
	_ =	sdelay $0x1  }
0x8a: {  	s1 =	srdreg.scid  }
0x8b: {  	s0 =	sand.u32 $0x1, s1  }
0x8c: {  	s14 =	sshll.u32 s0, $0xA;
	s2 =	sadd.s32 s3, s2  }
0x8d: {  	s2 =	sadd.s32 s2, s14  }
0x8e: {  	[smem:$0x3FC5] =	sst s2  }
0x8f: {  	_ = 	snop  }
0x90: {  	s2 =	sld [smem:$0x3FD0];
	_ =	sdelay $0x1  }
0x91: {  	s15 =	sld [smem:$0x3FC8]  }
0x92: {  	s5 =	simm.s32 $0xA;
	s6 =	simm.s32 $0x10;
	s4 =	sld [smem:$0x3FC7]  }
0x93: {  	[smem:s6], [sflag:s5] =	dma.local [hbm:s2], $0x1  }
0x94: {  	_ =	swait.eq [sflag:s5], $0x1  }
0x95: {  	[sflag:s5] =	ssyncset.done $0x0  }
0x96: {  	s16 =	sld [smem:$0x10];
	[sflag:s5] =	ssyncadd.s32 $0xFFFFFFFF  }
0x97: {  	s17 =	sld [smem:$0x11];
	(tm) =	ssettm $0x1  }
0x98: {  	s18 =	sld [smem:$0x3FFB];
	_ =	sdelay $0x3  }
0x99: {  	_ =	strace s18  }
0x9a: {  	s6 =	sld [smem:$0x3FFC];
	_ =	sdelay $0x3  }
0x9b: {  	_ =	strace s6  }
0x9c: {  	s6 =	sld [smem:$0x3FFD];
	_ =	sdelay $0x3  }
0x9d: {  	_ =	strace s6  }
0x9e: {  	_ =	strace $0x8FFFFFFF  }
0x9f: {  	s19 =	sld [smem:$0x3FDB];
	_ =	sdelay $0x1  }
0xa0: {  	s7 =	simm.s32 $_scs_section_size  }
0xa1: {  	s8 =	simm.s32 $_size__tile_overlayer_lowered;
	s9 =	simm.s32 $_tile_overlayer_lowered  }
0xa2: {  	s22 =	simm.s32 $0x1BFF;
	s21 =	sshll.u32 s9, $0x1;
	s6 =	sadd.s32 s7, s19  }
0xa3: {  	s10 =	simm.s32 $0x0;
	s20 =	sshll.u32 s8, $0x1;
	s8 =	sadd.s32 s21, s6  }
0xa4: {  	[timem:s10], [sflag:s22] =	dma.local [hbm:s8], s20  }
0xa5: {  	_ =	swait.ge [sflag:s22], s20  }
0xa6: {  	s7 =	ssub.s32 $0x0, s20;
	[sflag:s22] =	ssyncset.done $0x0  }
0xa7: {  	[sflag:s22] =	ssyncadd.s32 s7;
	_ =	sdelay $0x1  }
0xa8: {  	s23 =	simm.s32 $0x1B8B  }
0xa9: {  	_ =	swait.ge [sflag:s23], $0x1  }
0xaa: {  	[sflag:s23] =	ssyncset.done $0x0  }
0xab: {  	s25 =	simm.s32 $0x1B8E;
	s24 =	sld [smem:$0x3FFE];
	[sflag:s23] =	ssyncadd.s32 $0xFFFFFFFF  }
0xac: {  	s26 =	simm.s32 $execute0_lowered;
	[smem:$0x3FD2] =	sst s25  }
0xad: {  	s8 =	sshll.u32 s26, $0x1;
	_ =	strace $0x80000046;
	[dreg:$0x1] =	wrdreg $0xFFFFFFFF  }
0xae: {  	s28 =	simm.s32 $_size_execute0_lowered;
	s6 =	sadd.s32 s6, s8;
	[dreg:$0x0] =	wrdreg $0x0  }
0xaf: {  	s8 =	sshll.u32 s28, $0x1;
	[dreg:$0x2] =	wrdreg s6  }
0xb0: {  	[dreg:$0x3] =	wrdreg s8  }
0xb1: {  	[dreg:$0x4] =	wrdreg $0xC0  }
0xb2: {  	_ =	task [dreg:s10], $0x5FFFF  }
0xb3: {  	[dreg:$0x1] =	wrdreg $0xFFFFFFFF  }
0xb4: {  	[dreg:$0x0] =	wrdreg $0x60  }
0xb5: {  	[dreg:$0x2] =	wrdreg s15  }
0xb6: {  	[dreg:$0x3] =	wrdreg s4  }
0xb7: {  	[dreg:$0x4] =	wrdreg s24  }
0xb8: {  	[dreg:$0x5] =	wrdreg s16  }
0xb9: {  	[dreg:$0x6] =	wrdreg s17  }
0xba: {  	[dreg:$0x7] =	wrdreg $0x9  }
0xbb: {  	_ =	task.clear_ibuf [dreg:s10], $0x8FFFF;
	_ =	strace $0x90000046  }
0xbc: {  	s29 =	simm.s32 $0x9;
	_ =	strace $0x80000048  }
0xbd: {  	_ =	swait.ge [sflag:s29], $0x1  }
0xbe: {  	[sflag:s29] =	ssyncadd.s32 $0xFFFFFFFF  }
0xbf: {  	_ =	strace $0x90000048  }
0xc0: {  	_ =	sfence  }
0xc1: {  	s30 =	sld [smem:$0x0];
	_ =	sdelay $0x2  }
0xc2: {  	s31 =	sshll.u32 s1, $0xD;
	s1 =	sshrl.u32 s1, $0x2  }
0xc3: {  	s3 =	sand.u32 $0x4000, s31;
	s1 =	sadd.s32 s1, s30  }
0xc4: {  	s0 =	sor.u32 s3, s0;
	s1 =	sshll.u32 s1, $0x11  }
0xc5: {  	s0 =	sor.u32 s1, s0  }
0xc6: {  	s0 =	sadd.s32 $0x8F2B, s0  }
0xc7: {  	[sflag:s0] =	ssyncadd.remote.s32 $0x1  }
0xc8: {  	_ =	sfence.sel $0xFFFF  }
0xc9: {  	[dreg:$0x0] =	wrdreg $0xFFFFFFFF;
	(pc) =	sbr.abs _section_cstart, $3  }
0xca: {  	[dreg:$0x1] =	wrdreg $0xFFFFFFFF  }
0xcb: {  	_ =	task.clear_ibuf [dreg:s10], $0x2FFFF;
	_ =	strace $0x9FFFFFFF  }
0xcc: {  	(tm) =	ssettm $0x7FFFFFFF  }
0xcd: {  	_ =	shalt  }
tec
execute0_lowered:
.L_overlay_start_1:
0x0: {  	(tag) =	ssettag $0x1  }
0x1: {  	s1 =	rddreg [dreg:$0x0]  }
0x2: {  	s2 =	rddreg [dreg:$0x1];
	s0 =	srdreg.scid  }
0x3: {  	s3 =	rddreg [dreg:$0x2];
	s4 =	stileid.u32;
	s0 =	sand.u32 $0x1, s0  }
0x4: {  	s5 =	rddreg [dreg:$0x3];
	s4 =	sshll.u32 s4, $0xB;
	s6 =	sshll.u32 s0, $0xA  }
0x5: {  	s7 =	rddreg [dreg:$0x4];
	s6 =	sor.u32 s6, s4  }
0x6: {  	s4 =	simm.s32 $0x0;
	s8 =	sshrl.u32 s6, $0x3;
	s6 =	sshll.u32 s6, $0x5  }
0x7: {  	[smem:$0x7FF] =	sst s4;
	s3 =	sadd.s32 s8, s3;
	s8 =	sadd.s32 s5, s6  }
0x8: {  	_ =	strace $0x80000047;
	s9 =	sadd.s32 s7, s6;
	[dreg:$0x7] =	wrdreg s8  }
0x9: {  	s10 =	sor.u32 $0x1000, s6;
	s3 =	sadd.s32 $0x800, s3;
	[dreg:$0x8] =	wrdreg s9  }
0xa: {  	s11 =	sadd.s32 s5, s10;
	[dreg:$0x6] =	wrdreg s3  }
0xb: {  	s13 =	sor.u32 $0x2000, s6;
	s12 =	sadd.s32 s7, s10;
	[dreg:$0x9] =	wrdreg s11  }
0xc: {  	s14 =	sadd.s32 s5, s13;
	[dreg:$0xa] =	wrdreg s12  }
0xd: {  	s16 =	sor.u32 $0x3000, s6;
	s15 =	sadd.s32 s7, s13;
	[dreg:$0xb] =	wrdreg s14  }
0xe: {  	s0 =	ssub.s32 $0x2, s0;
	s17 =	sadd.s32 s5, s16;
	[dreg:$0xc] =	wrdreg s15  }
0xf: {  	s19 =	sor.u32 $0x4000, s6;
	s18 =	sadd.s32 s7, s16;
	[dreg:$0xd] =	wrdreg s17  }
0x10: {  	s29 =	sshrl.u32 s0, $0x1;
	s20 =	sadd.s32 s5, s19;
	[dreg:$0xe] =	wrdreg s18  }
0x11: {  	s22 =	sor.u32 $0x5000, s6;
	s21 =	sadd.s32 s7, s19;
	[dreg:$0xf] =	wrdreg s20  }
0x12: {  	s0 =	ssub.s32 s0, s29;
	s23 =	sadd.s32 s5, s22;
	[dreg:$0x10] =	wrdreg s21  }
0x13: {  	s25 =	sor.u32 $0x6000, s6;
	s24 =	sadd.s32 s7, s22;
	[dreg:$0x11] =	wrdreg s23  }
0x14: {  	s6 =	sor.u32 $0x7000, s6;
	s26 =	sadd.s32 s5, s25;
	[dreg:$0x12] =	wrdreg s24  }
0x15: {  	s0 =	smax.u32 s0, $0x1;
	s28 =	sadd.s32 s7, s25;
	[dreg:$0x13] =	wrdreg s26  }
0x16: {  	v2 =	vlaneseq.u32;
	s30 =	sadd.s32 s5, s6;
	s31 =	sadd.s32 s7, s6;
	[dreg:$0x14] =	wrdreg s28  }
0x17: {  	vm0 =	vmmov $0xffff;
	v1 =	vshrl.u32 v2, $0x3;
	s6 =	simm.s32 $0x2;
	s7 =	simm.s32 $0x400;
	[dreg:$0x15] =	wrdreg s30  }
0x18: {  	v0 =	vand.u32 $0x7, v2;
	v2 =	vor.u32 $0x8, v2;
	v1 =	vmul.u32 $0x8, v1;
	[dreg:$0x16] =	wrdreg s31;
	s23 =	simm.s32 $0x8400;
	s14 =	simm.s32 $0x1  }
.LBB2_1:
0x19: {  	[dreg:$0x17] =	wrdreg s0  }
0x1a: {  	s15 =	rddreg [dreg:$0x6]  }
0x1b: {  	[tilespmem:s4], [sflag:$0x2] =	stream.linear.gather [hbm4b:s15+s4], $0x400, $0x38;
	[tilespmem:$0x10400] =	vst v63  }
0x1c: {  	_ =	swait.ge [sflag:s6], $0x400  }
0x1d: {  	[sflag:s6] =	ssyncset.done $0x0  }
0x1e: {  	[sflag:s6] =	ssyncadd.s32 $0xFFFFFC00  }
0x1f: {  	v3 =	vld [tilespmem:$0x0];
	_ =	sdelay $0x4  }
0x20: {  	v4 =	vshll.u32 v3, $0x1  }
0x21: {  	v3 =	vand.u32 $0x7, v3;
	v4 =	vand.u32 $0xFFFFFFF0, v4  }
0x22: {  	v3 =	vor.u32 v3, v4  }
0x23: {  	v4 =	vperm.xlane v3, v0;
	_ =	sdelay $0x1  }
0x24: {  	v3 =	vperm.xlane v3, v2;
	v4 =	vadd.s32 v1, v4;
	_ =	sdelay $0x1  }
0x25: {  	v3 =	vadd.s32 v1, v3;
	_ =	sdelay $0x2  }
0x26: {  	[tilespmem:s7], [sflag:$0x1] =	stream.indirect_vreg.gather [hbm4b:s1+s4], $0x80, v4, vm0, $0xb8;
	[tilespmem:$0x10400] =	vst v63  }
0x27: {  	s28 =	simm.s32 $0xC00  }
0x28: {  	[tilespmem:s28], [sflag:$0x1] =	stream.indirect_vreg.gather [hbm4b:s1+s4], $0x80, v3, vm0, $0xb8;
	[tilespmem:$0x10400] =	vst v63  }
0x29: {  	v3 =	vld [tilespmem:$0x10];
	_ =	sdelay $0x4  }
0x2a: {  	v49 =	vshll.u32 v3, $0x1  }
0x2b: {  	v3 =	vand.u32 $0x7, v3;
	v4 =	vand.u32 $0xFFFFFFF0, v49  }
0x2c: {  	v3 =	vor.u32 v3, v4  }
0x2d: {  	v4 =	vperm.xlane v3, v0;
	_ =	sdelay $0x1  }
0x2e: {  	v3 =	vperm.xlane v3, v2;
	v4 =	vadd.s32 v1, v4;
	_ =	sdelay $0x1  }
0x2f: {  	v3 =	vadd.s32 v1, v3;
	_ =	sdelay $0x1  }
0x30: {  	s29 =	simm.s32 $0x1400  }
0x31: {  	[tilespmem:s29], [sflag:$0x1] =	stream.indirect_vreg.gather [hbm4b:s1+s4], $0x80, v4, vm0, $0xb8;
	[tilespmem:$0x10400] =	vst v63  }
0x32: {  	s30 =	simm.s32 $0x1C00  }
0x33: {  	[tilespmem:s30], [sflag:$0x1] =	stream.indirect_vreg.gather [hbm4b:s1+s4], $0x80, v3, vm0, $0xb8;
	[tilespmem:$0x10400] =	vst v63  }
0x34: {  	v3 =	vld [tilespmem:$0x20];
	_ =	sdelay $0x4  }
0x35: {  	v50 =	vshll.u32 v3, $0x1  }
0x36: {  	v3 =	vand.u32 $0x7, v3;
	v4 =	vand.u32 $0xFFFFFFF0, v50  }
0x37: {  	v3 =	vor.u32 v3, v4  }
0x38: {  	v4 =	vperm.xlane v3, v0;
	_ =	sdelay $0x1  }
0x39: {  	v3 =	vperm.xlane v3, v2;
	v4 =	vadd.s32 v1, v4;
	_ =	sdelay $0x1  }
0x3a: {  	v3 =	vadd.s32 v1, v3;
	_ =	sdelay $0x1  }
0x3b: {  	s31 =	simm.s32 $0x2400  }
0x3c: {  	[tilespmem:s31], [sflag:$0x1] =	stream.indirect_vreg.gather [hbm4b:s1+s4], $0x80, v4, vm0, $0xb8;
	[tilespmem:$0x10400] =	vst v63  }
0x3d: {  	s3 =	simm.s32 $0x2C00  }
0x3e: {  	[tilespmem:s3], [sflag:$0x1] =	stream.indirect_vreg.gather [hbm4b:s1+s4], $0x80, v3, vm0, $0xb8;
	[tilespmem:$0x10400] =	vst v63  }
0x3f: {  	v3 =	vld [tilespmem:$0x30];
	_ =	sdelay $0x4  }
0x40: {  	v51 =	vshll.u32 v3, $0x1  }
0x41: {  	v3 =	vand.u32 $0x7, v3;
	v4 =	vand.u32 $0xFFFFFFF0, v51  }
0x42: {  	v3 =	vor.u32 v3, v4  }
0x43: {  	v4 =	vperm.xlane v3, v0;
	_ =	sdelay $0x1  }
0x44: {  	v3 =	vperm.xlane v3, v2;
	v4 =	vadd.s32 v1, v4;
	_ =	sdelay $0x1  }
0x45: {  	v3 =	vadd.s32 v1, v3;
	_ =	sdelay $0x1  }
0x46: {  	s5 =	simm.s32 $0x3400  }
0x47: {  	[tilespmem:s5], [sflag:$0x1] =	stream.indirect_vreg.gather [hbm4b:s1+s4], $0x80, v4, vm0, $0xb8;
	[tilespmem:$0x10400] =	vst v63  }
0x48: {  	s8 =	simm.s32 $0x3C00  }
0x49: {  	[tilespmem:s8], [sflag:$0x1] =	stream.indirect_vreg.gather [hbm4b:s1+s4], $0x80, v3, vm0, $0xb8;
	[tilespmem:$0x10400] =	vst v63  }
0x4a: {  	v3 =	vld [tilespmem:$0x40];
	_ =	sdelay $0x4  }
0x4b: {  	v52 =	vshll.u32 v3, $0x1  }
0x4c: {  	v3 =	vand.u32 $0x7, v3;
	v4 =	vand.u32 $0xFFFFFFF0, v52  }
0x4d: {  	v3 =	vor.u32 v3, v4  }
0x4e: {  	v4 =	vperm.xlane v3, v0;
	_ =	sdelay $0x1  }
0x4f: {  	v3 =	vperm.xlane v3, v2;
	v4 =	vadd.s32 v1, v4;
	_ =	sdelay $0x1  }
0x50: {  	v3 =	vadd.s32 v1, v3;
	_ =	sdelay $0x1  }
0x51: {  	s10 =	simm.s32 $0x4400  }
0x52: {  	[tilespmem:s10], [sflag:$0x1] =	stream.indirect_vreg.gather [hbm4b:s1+s4], $0x80, v4, vm0, $0xb8;
	[tilespmem:$0x10400] =	vst v63  }
0x53: {  	s11 =	simm.s32 $0x4C00  }
0x54: {  	[tilespmem:s11], [sflag:$0x1] =	stream.indirect_vreg.gather [hbm4b:s1+s4], $0x80, v3, vm0, $0xb8;
	[tilespmem:$0x10400] =	vst v63  }
0x55: {  	v3 =	vld [tilespmem:$0x50];
	_ =	sdelay $0x4  }
0x56: {  	v53 =	vshll.u32 v3, $0x1  }
0x57: {  	v3 =	vand.u32 $0x7, v3;
	v4 =	vand.u32 $0xFFFFFFF0, v53  }
0x58: {  	v3 =	vor.u32 v3, v4  }
0x59: {  	v4 =	vperm.xlane v3, v0;
	_ =	sdelay $0x1  }
0x5a: {  	v3 =	vperm.xlane v3, v2;
	v4 =	vadd.s32 v1, v4;
	_ =	sdelay $0x1  }
0x5b: {  	v3 =	vadd.s32 v1, v3;
	_ =	sdelay $0x1  }
0x5c: {  	s12 =	simm.s32 $0x5400  }
0x5d: {  	[tilespmem:s12], [sflag:$0x1] =	stream.indirect_vreg.gather [hbm4b:s1+s4], $0x80, v4, vm0, $0xb8;
	[tilespmem:$0x10400] =	vst v63  }
0x5e: {  	s13 =	simm.s32 $0x5C00  }
0x5f: {  	[tilespmem:s13], [sflag:$0x1] =	stream.indirect_vreg.gather [hbm4b:s1+s4], $0x80, v3, vm0, $0xb8;
	[tilespmem:$0x10400] =	vst v63  }
0x60: {  	v3 =	vld [tilespmem:$0x60];
	_ =	sdelay $0x4  }
0x61: {  	v54 =	vshll.u32 v3, $0x1  }
0x62: {  	v3 =	vand.u32 $0x7, v3;
	v4 =	vand.u32 $0xFFFFFFF0, v54  }
0x63: {  	v3 =	vor.u32 v3, v4  }
0x64: {  	v4 =	vperm.xlane v3, v0;
	_ =	sdelay $0x1  }
0x65: {  	v3 =	vperm.xlane v3, v2;
	v4 =	vadd.s32 v1, v4;
	_ =	sdelay $0x1  }
0x66: {  	v3 =	vadd.s32 v1, v3;
	_ =	sdelay $0x1  }
0x67: {  	s15 =	simm.s32 $0x6400  }
0x68: {  	[tilespmem:s15], [sflag:$0x1] =	stream.indirect_vreg.gather [hbm4b:s1+s4], $0x80, v4, vm0, $0xb8;
	[tilespmem:$0x10400] =	vst v63  }
0x69: {  	s16 =	simm.s32 $0x6C00  }
0x6a: {  	[tilespmem:s16], [sflag:$0x1] =	stream.indirect_vreg.gather [hbm4b:s1+s4], $0x80, v3, vm0, $0xb8;
	[tilespmem:$0x10400] =	vst v63  }
0x6b: {  	v3 =	vld [tilespmem:$0x70];
	_ =	sdelay $0x4  }
0x6c: {  	v55 =	vshll.u32 v3, $0x1  }
0x6d: {  	v3 =	vand.u32 $0x7, v3;
	v4 =	vand.u32 $0xFFFFFFF0, v55  }
0x6e: {  	v3 =	vor.u32 v3, v4  }
0x6f: {  	v4 =	vperm.xlane v3, v0;
	_ =	sdelay $0x1  }
0x70: {  	v3 =	vperm.xlane v3, v2;
	v4 =	vadd.s32 v1, v4;
	_ =	sdelay $0x1  }
0x71: {  	v3 =	vadd.s32 v1, v3;
	_ =	sdelay $0x1  }
0x72: {  	s17 =	simm.s32 $0x7400  }
0x73: {  	[tilespmem:s17], [sflag:$0x1] =	stream.indirect_vreg.gather [hbm4b:s1+s4], $0x80, v4, vm0, $0xb8;
	[tilespmem:$0x10400] =	vst v63  }
0x74: {  	s22 =	simm.s32 $0x7C00  }
0x75: {  	[tilespmem:s22], [sflag:$0x1] =	stream.indirect_vreg.gather [hbm4b:s1+s4], $0x80, v3, vm0, $0xb8;
	[tilespmem:$0x10400] =	vst v63  }
0x76: {  	v3 =	vld [tilespmem:$0x0];
	_ =	sdelay $0x4  }
0x77: {  	v56 =	vshll.u32 v3, $0x1  }
0x78: {  	v3 =	vand.u32 $0x7, v3;
	v4 =	vand.u32 $0xFFFFFFF0, v56  }
0x79: {  	v3 =	vor.u32 v3, v4  }
0x7a: {  	v4 =	vperm.xlane v3, v0;
	_ =	sdelay $0x1  }
0x7b: {  	v3 =	vperm.xlane v3, v2;
	v4 =	vadd.s32 v1, v4;
	_ =	sdelay $0x1  }
0x7c: {  	v3 =	vadd.s32 v1, v3;
	_ =	sdelay $0x2  }
0x7d: {  	[tilespmem:s23], [sflag:$0x1] =	stream.indirect_vreg.gather [hbm4b:s2+s4], $0x80, v4, vm0, $0xb8;
	[tilespmem:$0x10400] =	vst v63  }
0x7e: {  	s24 =	simm.s32 $0x8C00  }
0x7f: {  	[tilespmem:s24], [sflag:$0x1] =	stream.indirect_vreg.gather [hbm4b:s2+s4], $0x80, v3, vm0, $0xb8;
	[tilespmem:$0x10400] =	vst v63  }
0x80: {  	v3 =	vld [tilespmem:$0x10];
	_ =	sdelay $0x4  }
0x81: {  	v57 =	vshll.u32 v3, $0x1  }
0x82: {  	v3 =	vand.u32 $0x7, v3;
	v4 =	vand.u32 $0xFFFFFFF0, v57  }
0x83: {  	v3 =	vor.u32 v3, v4  }
0x84: {  	v4 =	vperm.xlane v3, v0;
	_ =	sdelay $0x1  }
0x85: {  	v3 =	vperm.xlane v3, v2;
	v4 =	vadd.s32 v1, v4;
	_ =	sdelay $0x1  }
0x86: {  	v3 =	vadd.s32 v1, v3;
	_ =	sdelay $0x1  }
0x87: {  	s25 =	simm.s32 $0x9400  }
0x88: {  	[tilespmem:s25], [sflag:$0x1] =	stream.indirect_vreg.gather [hbm4b:s2+s4], $0x80, v4, vm0, $0xb8;
	[tilespmem:$0x10400] =	vst v63  }
0x89: {  	s28 =	simm.s32 $0x9C00  }
0x8a: {  	[tilespmem:s28], [sflag:$0x1] =	stream.indirect_vreg.gather [hbm4b:s2+s4], $0x80, v3, vm0, $0xb8;
	[tilespmem:$0x10400] =	vst v63  }
0x8b: {  	v3 =	vld [tilespmem:$0x20];
	_ =	sdelay $0x4  }
0x8c: {  	v58 =	vshll.u32 v3, $0x1  }
0x8d: {  	v3 =	vand.u32 $0x7, v3;
	v4 =	vand.u32 $0xFFFFFFF0, v58  }
0x8e: {  	v3 =	vor.u32 v3, v4  }
0x8f: {  	v4 =	vperm.xlane v3, v0;
	_ =	sdelay $0x1  }
0x90: {  	v3 =	vperm.xlane v3, v2;
	v4 =	vadd.s32 v1, v4;
	_ =	sdelay $0x1  }
0x91: {  	v3 =	vadd.s32 v1, v3;
	_ =	sdelay $0x1  }
0x92: {  	s30 =	simm.s32 $0xA400  }
0x93: {  	[tilespmem:s30], [sflag:$0x1] =	stream.indirect_vreg.gather [hbm4b:s2+s4], $0x80, v4, vm0, $0xb8;
	[tilespmem:$0x10400] =	vst v63  }
0x94: {  	s31 =	simm.s32 $0xAC00  }
0x95: {  	[tilespmem:s31], [sflag:$0x1] =	stream.indirect_vreg.gather [hbm4b:s2+s4], $0x80, v3, vm0, $0xb8;
	[tilespmem:$0x10400] =	vst v63  }
0x96: {  	v3 =	vld [tilespmem:$0x30];
	_ =	sdelay $0x4  }
0x97: {  	v59 =	vshll.u32 v3, $0x1  }
0x98: {  	v3 =	vand.u32 $0x7, v3;
	v4 =	vand.u32 $0xFFFFFFF0, v59  }
0x99: {  	v3 =	vor.u32 v3, v4  }
0x9a: {  	v4 =	vperm.xlane v3, v0;
	_ =	sdelay $0x1  }
0x9b: {  	v3 =	vperm.xlane v3, v2;
	v4 =	vadd.s32 v1, v4;
	_ =	sdelay $0x1  }
0x9c: {  	v3 =	vadd.s32 v1, v3;
	_ =	sdelay $0x1  }
0x9d: {  	s3 =	simm.s32 $0xB400  }
0x9e: {  	[tilespmem:s3], [sflag:$0x1] =	stream.indirect_vreg.gather [hbm4b:s2+s4], $0x80, v4, vm0, $0xb8;
	[tilespmem:$0x10400] =	vst v63  }
0x9f: {  	s5 =	simm.s32 $0xBC00  }
0xa0: {  	[tilespmem:s5], [sflag:$0x1] =	stream.indirect_vreg.gather [hbm4b:s2+s4], $0x80, v3, vm0, $0xb8;
	[tilespmem:$0x10400] =	vst v63  }
0xa1: {  	v3 =	vld [tilespmem:$0x40];
	_ =	sdelay $0x4  }
0xa2: {  	v60 =	vshll.u32 v3, $0x1  }
0xa3: {  	v3 =	vand.u32 $0x7, v3;
	v4 =	vand.u32 $0xFFFFFFF0, v60  }
0xa4: {  	v3 =	vor.u32 v3, v4  }
0xa5: {  	v4 =	vperm.xlane v3, v0;
	_ =	sdelay $0x1  }
0xa6: {  	v3 =	vperm.xlane v3, v2;
	v4 =	vadd.s32 v1, v4;
	_ =	sdelay $0x1  }
0xa7: {  	v3 =	vadd.s32 v1, v3;
	_ =	sdelay $0x1  }
0xa8: {  	s8 =	simm.s32 $0xC400  }
0xa9: {  	[tilespmem:s8], [sflag:$0x1] =	stream.indirect_vreg.gather [hbm4b:s2+s4], $0x80, v4, vm0, $0xb8;
	[tilespmem:$0x10400] =	vst v63  }
0xaa: {  	s11 =	simm.s32 $0xCC00  }
0xab: {  	[tilespmem:s11], [sflag:$0x1] =	stream.indirect_vreg.gather [hbm4b:s2+s4], $0x80, v3, vm0, $0xb8;
	[tilespmem:$0x10400] =	vst v63  }
0xac: {  	v3 =	vld [tilespmem:$0x50];
	_ =	sdelay $0x4  }
0xad: {  	v61 =	vshll.u32 v3, $0x1  }
0xae: {  	v3 =	vand.u32 $0x7, v3;
	v4 =	vand.u32 $0xFFFFFFF0, v61  }
0xaf: {  	v3 =	vor.u32 v3, v4  }
0xb0: {  	v4 =	vperm.xlane v3, v0;
	_ =	sdelay $0x1  }
0xb1: {  	v3 =	vperm.xlane v3, v2;
	v4 =	vadd.s32 v1, v4;
	_ =	sdelay $0x1  }
0xb2: {  	v3 =	vadd.s32 v1, v3;
	_ =	sdelay $0x1  }
0xb3: {  	s13 =	simm.s32 $0xD400  }
0xb4: {  	[tilespmem:s13], [sflag:$0x1] =	stream.indirect_vreg.gather [hbm4b:s2+s4], $0x80, v4, vm0, $0xb8;
	[tilespmem:$0x10400] =	vst v63  }
0xb5: {  	s16 =	simm.s32 $0xDC00  }
0xb6: {  	[tilespmem:s16], [sflag:$0x1] =	stream.indirect_vreg.gather [hbm4b:s2+s4], $0x80, v3, vm0, $0xb8;
	[tilespmem:$0x10400] =	vst v63  }
0xb7: {  	v3 =	vld [tilespmem:$0x60];
	_ =	sdelay $0x4  }
0xb8: {  	v62 =	vshll.u32 v3, $0x1  }
0xb9: {  	v3 =	vand.u32 $0x7, v3;
	v4 =	vand.u32 $0xFFFFFFF0, v62  }
0xba: {  	v3 =	vor.u32 v3, v4  }
0xbb: {  	v4 =	vperm.xlane v3, v0;
	_ =	sdelay $0x1  }
0xbc: {  	v3 =	vperm.xlane v3, v2;
	v4 =	vadd.s32 v1, v4;
	_ =	sdelay $0x1  }
0xbd: {  	v3 =	vadd.s32 v1, v3;
	_ =	sdelay $0x1  }
0xbe: {  	s17 =	simm.s32 $0xE400  }
0xbf: {  	[tilespmem:s17], [sflag:$0x1] =	stream.indirect_vreg.gather [hbm4b:s2+s4], $0x80, v4, vm0, $0xb8;
	[tilespmem:$0x10400] =	vst v63  }
0xc0: {  	s24 =	simm.s32 $0xEC00  }
0xc1: {  	[tilespmem:s24], [sflag:$0x1] =	stream.indirect_vreg.gather [hbm4b:s2+s4], $0x80, v3, vm0, $0xb8;
	[tilespmem:$0x10400] =	vst v63  }
0xc2: {  	v3 =	vld [tilespmem:$0x70];
	_ =	sdelay $0x4  }
0xc3: {  	v63 =	vshll.u32 v3, $0x1  }
0xc4: {  	v3 =	vand.u32 $0x7, v3;
	v4 =	vand.u32 $0xFFFFFFF0, v63  }
0xc5: {  	v3 =	vor.u32 v3, v4  }
0xc6: {  	v4 =	vperm.xlane v3, v0;
	_ =	sdelay $0x1  }
0xc7: {  	v3 =	vperm.xlane v3, v2;
	v4 =	vadd.s32 v1, v4;
	_ =	sdelay $0x1  }
0xc8: {  	v3 =	vadd.s32 v1, v3;
	_ =	sdelay $0x1  }
0xc9: {  	s25 =	simm.s32 $0xF400  }
0xca: {  	[tilespmem:s25], [sflag:$0x1] =	stream.indirect_vreg.gather [hbm4b:s2+s4], $0x80, v4, vm0, $0xb8;
	[tilespmem:$0x10400] =	vst v63  }
0xcb: {  	s28 =	simm.s32 $0xFC00  }
0xcc: {  	[tilespmem:s28], [sflag:$0x1] =	stream.indirect_vreg.gather [hbm4b:s2+s4], $0x80, v3, vm0, $0xb8;
	[tilespmem:$0x10400] =	vst v63  }
0xcd: {  	_ =	swait.ge [sflag:s14], $0x8000  }
0xce: {  	[sflag:s14] =	ssyncset.done $0x0  }
0xcf: {  	[sflag:s14] =	ssyncadd.s32 $0xFFFF8000  }
0xd0: {  	_ =	swait.ge [sflag:s14], $0x8000  }
0xd1: {  	[sflag:s14] =	ssyncset.done $0x0  }
0xd2: {  	s30 =	rddreg [dreg:$0x7];
	[sflag:s14] =	ssyncadd.s32 $0xFFFF8000  }
0xd3: {  	[hbm4b:s30+s4] =	stream.linear.scatter [tilespmem:s7], [sflag:$0x2], $0x8000, $0x38;
	[tilespmem:$0x10400] =	vst v63  }
0xd4: {  	_ =	swait.ge [sflag:s6], $0x8000  }
0xd5: {  	[sflag:s6] =	ssyncset.done $0x0  }
0xd6: {  	s31 =	rddreg [dreg:$0x8];
	[sflag:s6] =	ssyncadd.s32 $0xFFFF8000  }
0xd7: {  	[hbm4b:s31+s4] =	stream.linear.scatter [tilespmem:s23], [sflag:$0x2], $0x8000, $0x38;
	[tilespmem:$0x10400] =	vst v63  }
0xd8: {  	_ =	swait.ge [sflag:s6], $0x8000  }
0xd9: {  	[sflag:s6] =	ssyncset.done $0x0  }
0xda: {  	[sflag:s6] =	ssyncadd.s32 $0xFFFF8000  }
0xdb: {  	v3 =	vld [tilespmem:$0x80];
	_ =	sdelay $0x4  }
0xdc: {  	v8 =	vshll.u32 v3, $0x1  }
0xdd: {  	v3 =	vand.u32 $0x7, v3;
	v4 =	vand.u32 $0xFFFFFFF0, v8  }
0xde: {  	v3 =	vor.u32 v3, v4  }
0xdf: {  	v4 =	vperm.xlane v3, v0;
	_ =	sdelay $0x1  }
0xe0: {  	v3 =	vperm.xlane v3, v2;
	v4 =	vadd.s32 v1, v4;
	_ =	sdelay $0x1  }
0xe1: {  	v3 =	vadd.s32 v1, v3;
	_ =	sdelay $0x2  }
0xe2: {  	[tilespmem:s7], [sflag:$0x1] =	stream.indirect_vreg.gather [hbm4b:s1+s4], $0x80, v4, vm0, $0xb8;
	[tilespmem:$0x10400] =	vst v63  }
0xe3: {  	s21 =	simm.s32 $0xC00  }
0xe4: {  	[tilespmem:s21], [sflag:$0x1] =	stream.indirect_vreg.gather [hbm4b:s1+s4], $0x80, v3, vm0, $0xb8;
	[tilespmem:$0x10400] =	vst v63  }
0xe5: {  	v3 =	vld [tilespmem:$0x90];
	_ =	sdelay $0x4  }
0xe6: {  	v9 =	vshll.u32 v3, $0x1  }
0xe7: {  	v3 =	vand.u32 $0x7, v3;
	v4 =	vand.u32 $0xFFFFFFF0, v9  }
0xe8: {  	v3 =	vor.u32 v3, v4  }
0xe9: {  	v4 =	vperm.xlane v3, v0;
	_ =	sdelay $0x1  }
0xea: {  	v3 =	vperm.xlane v3, v2;
	v4 =	vadd.s32 v1, v4;
	_ =	sdelay $0x1  }
0xeb: {  	v3 =	vadd.s32 v1, v3;
	_ =	sdelay $0x1  }
0xec: {  	s9 =	simm.s32 $0x1400  }
0xed: {  	[tilespmem:s9], [sflag:$0x1] =	stream.indirect_vreg.gather [hbm4b:s1+s4], $0x80, v4, vm0, $0xb8;
	[tilespmem:$0x10400] =	vst v63  }
0xee: {  	s24 =	simm.s32 $0x1C00  }
0xef: {  	[tilespmem:s24], [sflag:$0x1] =	stream.indirect_vreg.gather [hbm4b:s1+s4], $0x80, v3, vm0, $0xb8;
	[tilespmem:$0x10400] =	vst v63  }
0xf0: {  	v3 =	vld [tilespmem:$0xA0];
	_ =	sdelay $0x4  }
0xf1: {  	v10 =	vshll.u32 v3, $0x1  }
0xf2: {  	v3 =	vand.u32 $0x7, v3;
	v4 =	vand.u32 $0xFFFFFFF0, v10  }
0xf3: {  	v3 =	vor.u32 v3, v4  }
0xf4: {  	v4 =	vperm.xlane v3, v0;
	_ =	sdelay $0x1  }
0xf5: {  	v3 =	vperm.xlane v3, v2;
	v4 =	vadd.s32 v1, v4;
	_ =	sdelay $0x1  }
0xf6: {  	v3 =	vadd.s32 v1, v3;
	_ =	sdelay $0x1  }
0xf7: {  	s18 =	simm.s32 $0x2400  }
0xf8: {  	[tilespmem:s18], [sflag:$0x1] =	stream.indirect_vreg.gather [hbm4b:s1+s4], $0x80, v4, vm0, $0xb8;
	[tilespmem:$0x10400] =	vst v63  }
0xf9: {  	s25 =	simm.s32 $0x2C00  }
0xfa: {  	[tilespmem:s25], [sflag:$0x1] =	stream.indirect_vreg.gather [hbm4b:s1+s4], $0x80, v3, vm0, $0xb8;
	[tilespmem:$0x10400] =	vst v63  }
0xfb: {  	v3 =	vld [tilespmem:$0xB0];
	_ =	sdelay $0x4  }
0xfc: {  	v11 =	vshll.u32 v3, $0x1  }
0xfd: {  	v3 =	vand.u32 $0x7, v3;
	v4 =	vand.u32 $0xFFFFFFF0, v11  }
0xfe: {  	v3 =	vor.u32 v3, v4  }
0xff: {  	v4 =	vperm.xlane v3, v0;
	_ =	sdelay $0x1  }
0x100: {  	v3 =	vperm.xlane v3, v2;
	v4 =	vadd.s32 v1, v4;
	_ =	sdelay $0x1  }
0x101: {  	v3 =	vadd.s32 v1, v3;
	_ =	sdelay $0x1  }
0x102: {  	s19 =	simm.s32 $0x3400  }
0x103: {  	[tilespmem:s19], [sflag:$0x1] =	stream.indirect_vreg.gather [hbm4b:s1+s4], $0x80, v4, vm0, $0xb8;
	[tilespmem:$0x10400] =	vst v63  }
0x104: {  	s26 =	simm.s32 $0x3C00  }
0x105: {  	[tilespmem:s26], [sflag:$0x1] =	stream.indirect_vreg.gather [hbm4b:s1+s4], $0x80, v3, vm0, $0xb8;
	[tilespmem:$0x10400] =	vst v63  }
0x106: {  	v3 =	vld [tilespmem:$0xC0];
	_ =	sdelay $0x4  }
0x107: {  	v12 =	vshll.u32 v3, $0x1  }
0x108: {  	v3 =	vand.u32 $0x7, v3;
	v4 =	vand.u32 $0xFFFFFFF0, v12  }
0x109: {  	v3 =	vor.u32 v3, v4  }
0x10a: {  	v4 =	vperm.xlane v3, v0;
	_ =	sdelay $0x1  }
0x10b: {  	v3 =	vperm.xlane v3, v2;
	v4 =	vadd.s32 v1, v4;
	_ =	sdelay $0x1  }
0x10c: {  	v3 =	vadd.s32 v1, v3;
	_ =	sdelay $0x1  }
0x10d: {  	s20 =	simm.s32 $0x4400  }
0x10e: {  	[tilespmem:s20], [sflag:$0x1] =	stream.indirect_vreg.gather [hbm4b:s1+s4], $0x80, v4, vm0, $0xb8;
	[tilespmem:$0x10400] =	vst v63  }
0x10f: {  	s28 =	simm.s32 $0x4C00  }
0x110: {  	[tilespmem:s28], [sflag:$0x1] =	stream.indirect_vreg.gather [hbm4b:s1+s4], $0x80, v3, vm0, $0xb8;
	[tilespmem:$0x10400] =	vst v63  }
0x111: {  	v3 =	vld [tilespmem:$0xD0];
	_ =	sdelay $0x4  }
0x112: {  	v13 =	vshll.u32 v3, $0x1  }
0x113: {  	v3 =	vand.u32 $0x7, v3;
	v4 =	vand.u32 $0xFFFFFFF0, v13  }
0x114: {  	v3 =	vor.u32 v3, v4  }
0x115: {  	v4 =	vperm.xlane v3, v0;
	_ =	sdelay $0x1  }
0x116: {  	v3 =	vperm.xlane v3, v2;
	v4 =	vadd.s32 v1, v4;
	_ =	sdelay $0x1  }
0x117: {  	v3 =	vadd.s32 v1, v3;
	_ =	sdelay $0x1  }
0x118: {  	s26 =	simm.s32 $0x5400  }
0x119: {  	[tilespmem:s26], [sflag:$0x1] =	stream.indirect_vreg.gather [hbm4b:s1+s4], $0x80, v4, vm0, $0xb8;
	[tilespmem:$0x10400] =	vst v63  }
0x11a: {  	s29 =	simm.s32 $0x5C00  }
0x11b: {  	[tilespmem:s29], [sflag:$0x1] =	stream.indirect_vreg.gather [hbm4b:s1+s4], $0x80, v3, vm0, $0xb8;
	[tilespmem:$0x10400] =	vst v63  }
0x11c: {  	v3 =	vld [tilespmem:$0xE0];
	_ =	sdelay $0x4  }
0x11d: {  	v14 =	vshll.u32 v3, $0x1  }
0x11e: {  	v3 =	vand.u32 $0x7, v3;
	v4 =	vand.u32 $0xFFFFFFF0, v14  }
0x11f: {  	v3 =	vor.u32 v3, v4  }
0x120: {  	v4 =	vperm.xlane v3, v0;
	_ =	sdelay $0x1  }
0x121: {  	v3 =	vperm.xlane v3, v2;
	v4 =	vadd.s32 v1, v4;
	_ =	sdelay $0x1  }
0x122: {  	v3 =	vadd.s32 v1, v3;
	_ =	sdelay $0x1  }
0x123: {  	s29 =	simm.s32 $0x6400  }
0x124: {  	[tilespmem:s29], [sflag:$0x1] =	stream.indirect_vreg.gather [hbm4b:s1+s4], $0x80, v4, vm0, $0xb8;
	[tilespmem:$0x10400] =	vst v63  }
0x125: {  	s30 =	simm.s32 $0x6C00  }
0x126: {  	[tilespmem:s30], [sflag:$0x1] =	stream.indirect_vreg.gather [hbm4b:s1+s4], $0x80, v3, vm0, $0xb8;
	[tilespmem:$0x10400] =	vst v63  }
0x127: {  	v3 =	vld [tilespmem:$0xF0];
	_ =	sdelay $0x4  }
0x128: {  	v15 =	vshll.u32 v3, $0x1  }
0x129: {  	v3 =	vand.u32 $0x7, v3;
	v4 =	vand.u32 $0xFFFFFFF0, v15  }
0x12a: {  	v3 =	vor.u32 v3, v4  }
0x12b: {  	v4 =	vperm.xlane v3, v0;
	_ =	sdelay $0x1  }
0x12c: {  	v3 =	vperm.xlane v3, v2;
	v4 =	vadd.s32 v1, v4;
	_ =	sdelay $0x1  }
0x12d: {  	v3 =	vadd.s32 v1, v3;
	_ =	sdelay $0x1  }
0x12e: {  	s31 =	simm.s32 $0x7400  }
0x12f: {  	[tilespmem:s31], [sflag:$0x1] =	stream.indirect_vreg.gather [hbm4b:s1+s4], $0x80, v4, vm0, $0xb8;
	[tilespmem:$0x10400] =	vst v63  }
0x130: {  	s19 =	simm.s32 $0x7C00  }
0x131: {  	[tilespmem:s19], [sflag:$0x1] =	stream.indirect_vreg.gather [hbm4b:s1+s4], $0x80, v3, vm0, $0xb8;
	[tilespmem:$0x10400] =	vst v63  }
0x132: {  	v3 =	vld [tilespmem:$0x80];
	_ =	sdelay $0x4  }
0x133: {  	v16 =	vshll.u32 v3, $0x1  }
0x134: {  	v3 =	vand.u32 $0x7, v3;
	v4 =	vand.u32 $0xFFFFFFF0, v16  }
0x135: {  	v3 =	vor.u32 v3, v4  }
0x136: {  	v4 =	vperm.xlane v3, v0;
	_ =	sdelay $0x1  }
0x137: {  	v3 =	vperm.xlane v3, v2;
	v4 =	vadd.s32 v1, v4;
	_ =	sdelay $0x1  }
0x138: {  	v3 =	vadd.s32 v1, v3;
	_ =	sdelay $0x2  }
0x139: {  	[tilespmem:s23], [sflag:$0x1] =	stream.indirect_vreg.gather [hbm4b:s2+s4], $0x80, v4, vm0, $0xb8;
	[tilespmem:$0x10400] =	vst v63  }
0x13a: {  	s18 =	simm.s32 $0x8C00  }
0x13b: {  	[tilespmem:s18], [sflag:$0x1] =	stream.indirect_vreg.gather [hbm4b:s2+s4], $0x80, v3, vm0, $0xb8;
	[tilespmem:$0x10400] =	vst v63  }
0x13c: {  	v3 =	vld [tilespmem:$0x90];
	_ =	sdelay $0x4  }
0x13d: {  	v17 =	vshll.u32 v3, $0x1  }
0x13e: {  	v3 =	vand.u32 $0x7, v3;
	v4 =	vand.u32 $0xFFFFFFF0, v17  }
0x13f: {  	v3 =	vor.u32 v3, v4  }
0x140: {  	v4 =	vperm.xlane v3, v0;
	_ =	sdelay $0x1  }
0x141: {  	v3 =	vperm.xlane v3, v2;
	v4 =	vadd.s32 v1, v4;
	_ =	sdelay $0x1  }
0x142: {  	v3 =	vadd.s32 v1, v3;
	_ =	sdelay $0x1  }
0x143: {  	s9 =	simm.s32 $0x9400  }
0x144: {  	[tilespmem:s9], [sflag:$0x1] =	stream.indirect_vreg.gather [hbm4b:s2+s4], $0x80, v4, vm0, $0xb8;
	[tilespmem:$0x10400] =	vst v63  }
0x145: {  	s20 =	simm.s32 $0x9C00  }
0x146: {  	[tilespmem:s20], [sflag:$0x1] =	stream.indirect_vreg.gather [hbm4b:s2+s4], $0x80, v3, vm0, $0xb8;
	[tilespmem:$0x10400] =	vst v63  }
0x147: {  	v3 =	vld [tilespmem:$0xA0];
	_ =	sdelay $0x4  }
0x148: {  	v18 =	vshll.u32 v3, $0x1  }
0x149: {  	v3 =	vand.u32 $0x7, v3;
	v4 =	vand.u32 $0xFFFFFFF0, v18  }
0x14a: {  	v3 =	vor.u32 v3, v4  }
0x14b: {  	v4 =	vperm.xlane v3, v0;
	_ =	sdelay $0x1  }
0x14c: {  	v3 =	vperm.xlane v3, v2;
	v4 =	vadd.s32 v1, v4;
	_ =	sdelay $0x1  }
0x14d: {  	v3 =	vadd.s32 v1, v3;
	_ =	sdelay $0x1  }
0x14e: {  	s10 =	simm.s32 $0xA400  }
0x14f: {  	[tilespmem:s10], [sflag:$0x1] =	stream.indirect_vreg.gather [hbm4b:s2+s4], $0x80, v4, vm0, $0xb8;
	[tilespmem:$0x10400] =	vst v63  }
0x150: {  	s21 =	simm.s32 $0xAC00  }
0x151: {  	[tilespmem:s21], [sflag:$0x1] =	stream.indirect_vreg.gather [hbm4b:s2+s4], $0x80, v3, vm0, $0xb8;
	[tilespmem:$0x10400] =	vst v63  }
0x152: {  	v3 =	vld [tilespmem:$0xB0];
	_ =	sdelay $0x4  }
0x153: {  	v19 =	vshll.u32 v3, $0x1  }
0x154: {  	v3 =	vand.u32 $0x7, v3;
	v4 =	vand.u32 $0xFFFFFFF0, v19  }
0x155: {  	v3 =	vor.u32 v3, v4  }
0x156: {  	v4 =	vperm.xlane v3, v0;
	_ =	sdelay $0x1  }
0x157: {  	v3 =	vperm.xlane v3, v2;
	v4 =	vadd.s32 v1, v4;
	_ =	sdelay $0x1  }
0x158: {  	v3 =	vadd.s32 v1, v3;
	_ =	sdelay $0x1  }
0x159: {  	s12 =	simm.s32 $0xB400  }
0x15a: {  	[tilespmem:s12], [sflag:$0x1] =	stream.indirect_vreg.gather [hbm4b:s2+s4], $0x80, v4, vm0, $0xb8;
	[tilespmem:$0x10400] =	vst v63  }
0x15b: {  	s22 =	simm.s32 $0xBC00  }
0x15c: {  	[tilespmem:s22], [sflag:$0x1] =	stream.indirect_vreg.gather [hbm4b:s2+s4], $0x80, v3, vm0, $0xb8;
	[tilespmem:$0x10400] =	vst v63  }
0x15d: {  	v3 =	vld [tilespmem:$0xC0];
	_ =	sdelay $0x4  }
0x15e: {  	v20 =	vshll.u32 v3, $0x1  }
0x15f: {  	v3 =	vand.u32 $0x7, v3;
	v4 =	vand.u32 $0xFFFFFFF0, v20  }
0x160: {  	v3 =	vor.u32 v3, v4  }
0x161: {  	v4 =	vperm.xlane v3, v0;
	_ =	sdelay $0x1  }
0x162: {  	v3 =	vperm.xlane v3, v2;
	v4 =	vadd.s32 v1, v4;
	_ =	sdelay $0x1  }
0x163: {  	v3 =	vadd.s32 v1, v3;
	_ =	sdelay $0x1  }
0x164: {  	s0 =	simm.s32 $0xC400  }
0x165: {  	[tilespmem:s0], [sflag:$0x1] =	stream.indirect_vreg.gather [hbm4b:s2+s4], $0x80, v4, vm0, $0xb8;
	[tilespmem:$0x10400] =	vst v63  }
0x166: {  	s11 =	simm.s32 $0xCC00  }
0x167: {  	[tilespmem:s11], [sflag:$0x1] =	stream.indirect_vreg.gather [hbm4b:s2+s4], $0x80, v3, vm0, $0xb8;
	[tilespmem:$0x10400] =	vst v63  }
0x168: {  	v3 =	vld [tilespmem:$0xD0];
	_ =	sdelay $0x4  }
0x169: {  	v21 =	vshll.u32 v3, $0x1  }
0x16a: {  	v3 =	vand.u32 $0x7, v3;
	v4 =	vand.u32 $0xFFFFFFF0, v21  }
0x16b: {  	v3 =	vor.u32 v3, v4  }
0x16c: {  	v4 =	vperm.xlane v3, v0;
	_ =	sdelay $0x1  }
0x16d: {  	v3 =	vperm.xlane v3, v2;
	v4 =	vadd.s32 v1, v4;
	_ =	sdelay $0x1  }
0x16e: {  	v3 =	vadd.s32 v1, v3;
	_ =	sdelay $0x1  }
0x16f: {  	s3 =	simm.s32 $0xD400  }
0x170: {  	[tilespmem:s3], [sflag:$0x1] =	stream.indirect_vreg.gather [hbm4b:s2+s4], $0x80, v4, vm0, $0xb8;
	[tilespmem:$0x10400] =	vst v63  }
0x171: {  	s13 =	simm.s32 $0xDC00  }
0x172: {  	[tilespmem:s13], [sflag:$0x1] =	stream.indirect_vreg.gather [hbm4b:s2+s4], $0x80, v3, vm0, $0xb8;
	[tilespmem:$0x10400] =	vst v63  }
0x173: {  	v3 =	vld [tilespmem:$0xE0];
	_ =	sdelay $0x4  }
0x174: {  	v22 =	vshll.u32 v3, $0x1  }
0x175: {  	v3 =	vand.u32 $0x7, v3;
	v4 =	vand.u32 $0xFFFFFFF0, v22  }
0x176: {  	v3 =	vor.u32 v3, v4  }
0x177: {  	v4 =	vperm.xlane v3, v0;
	_ =	sdelay $0x1  }
0x178: {  	v3 =	vperm.xlane v3, v2;
	v4 =	vadd.s32 v1, v4;
	_ =	sdelay $0x1  }
0x179: {  	v3 =	vadd.s32 v1, v3;
	_ =	sdelay $0x1  }
0x17a: {  	s5 =	simm.s32 $0xE400  }
0x17b: {  	[tilespmem:s5], [sflag:$0x1] =	stream.indirect_vreg.gather [hbm4b:s2+s4], $0x80, v4, vm0, $0xb8;
	[tilespmem:$0x10400] =	vst v63  }
0x17c: {  	s16 =	simm.s32 $0xEC00  }
0x17d: {  	[tilespmem:s16], [sflag:$0x1] =	stream.indirect_vreg.gather [hbm4b:s2+s4], $0x80, v3, vm0, $0xb8;
	[tilespmem:$0x10400] =	vst v63  }
0x17e: {  	v3 =	vld [tilespmem:$0xF0];
	_ =	sdelay $0x4  }
0x17f: {  	v23 =	vshll.u32 v3, $0x1  }
0x180: {  	v3 =	vand.u32 $0x7, v3;
	v4 =	vand.u32 $0xFFFFFFF0, v23  }
0x181: {  	v3 =	vor.u32 v3, v4  }
0x182: {  	v4 =	vperm.xlane v3, v0;
	_ =	sdelay $0x1  }
0x183: {  	v3 =	vperm.xlane v3, v2;
	v4 =	vadd.s32 v1, v4;
	_ =	sdelay $0x1  }
0x184: {  	v3 =	vadd.s32 v1, v3;
	_ =	sdelay $0x1  }
0x185: {  	s8 =	simm.s32 $0xF400  }
0x186: {  	[tilespmem:s8], [sflag:$0x1] =	stream.indirect_vreg.gather [hbm4b:s2+s4], $0x80, v4, vm0, $0xb8;
	[tilespmem:$0x10400] =	vst v63  }
0x187: {  	s17 =	simm.s32 $0xFC00  }
0x188: {  	[tilespmem:s17], [sflag:$0x1] =	stream.indirect_vreg.gather [hbm4b:s2+s4], $0x80, v3, vm0, $0xb8;
	[tilespmem:$0x10400] =	vst v63  }
0x189: {  	_ =	swait.ge [sflag:s14], $0x8000  }
0x18a: {  	[sflag:s14] =	ssyncset.done $0x0  }
0x18b: {  	[sflag:s14] =	ssyncadd.s32 $0xFFFF8000  }
0x18c: {  	_ =	swait.ge [sflag:s14], $0x8000  }
0x18d: {  	[sflag:s14] =	ssyncset.done $0x0  }
0x18e: {  	s15 =	rddreg [dreg:$0x9];
	[sflag:s14] =	ssyncadd.s32 $0xFFFF8000  }
0x18f: {  	[hbm4b:s15+s4] =	stream.linear.scatter [tilespmem:s7], [sflag:$0x2], $0x8000, $0x38;
	[tilespmem:$0x10400] =	vst v63  }
0x190: {  	_ =	swait.ge [sflag:s6], $0x8000  }
0x191: {  	[sflag:s6] =	ssyncset.done $0x0  }
0x192: {  	s15 =	rddreg [dreg:$0xa];
	[sflag:s6] =	ssyncadd.s32 $0xFFFF8000  }
0x193: {  	[hbm4b:s15+s4] =	stream.linear.scatter [tilespmem:s23], [sflag:$0x2], $0x8000, $0x38;
	[tilespmem:$0x10400] =	vst v63  }
0x194: {  	_ =	swait.ge [sflag:s6], $0x8000  }
0x195: {  	[sflag:s6] =	ssyncset.done $0x0  }
0x196: {  	[sflag:s6] =	ssyncadd.s32 $0xFFFF8000  }
0x197: {  	v3 =	vld [tilespmem:$0x100];
	_ =	sdelay $0x4  }
0x198: {  	v24 =	vshll.u32 v3, $0x1  }
0x199: {  	v3 =	vand.u32 $0x7, v3;
	v4 =	vand.u32 $0xFFFFFFF0, v24  }
0x19a: {  	v3 =	vor.u32 v3, v4  }
0x19b: {  	v4 =	vperm.xlane v3, v0;
	_ =	sdelay $0x1  }
0x19c: {  	v3 =	vperm.xlane v3, v2;
	v4 =	vadd.s32 v1, v4;
	_ =	sdelay $0x1  }
0x19d: {  	v3 =	vadd.s32 v1, v3;
	_ =	sdelay $0x2  }
0x19e: {  	[tilespmem:s7], [sflag:$0x1] =	stream.indirect_vreg.gather [hbm4b:s1+s4], $0x80, v4, vm0, $0xb8;
	[tilespmem:$0x10400] =	vst v63  }
0x19f: {  	s15 =	simm.s32 $0xC00  }
0x1a0: {  	[tilespmem:s15], [sflag:$0x1] =	stream.indirect_vreg.gather [hbm4b:s1+s4], $0x80, v3, vm0, $0xb8;
	[tilespmem:$0x10400] =	vst v63  }
0x1a1: {  	v3 =	vld [tilespmem:$0x110];
	_ =	sdelay $0x4  }
0x1a2: {  	v25 =	vshll.u32 v3, $0x1  }
0x1a3: {  	v3 =	vand.u32 $0x7, v3;
	v4 =	vand.u32 $0xFFFFFFF0, v25  }
0x1a4: {  	v3 =	vor.u32 v3, v4  }
0x1a5: {  	v4 =	vperm.xlane v3, v0;
	_ =	sdelay $0x1  }
0x1a6: {  	v3 =	vperm.xlane v3, v2;
	v4 =	vadd.s32 v1, v4;
	_ =	sdelay $0x1  }
0x1a7: {  	v3 =	vadd.s32 v1, v3;
	_ =	sdelay $0x1  }
0x1a8: {  	s15 =	simm.s32 $0x1400  }
0x1a9: {  	[tilespmem:s15], [sflag:$0x1] =	stream.indirect_vreg.gather [hbm4b:s1+s4], $0x80, v4, vm0, $0xb8;
	[tilespmem:$0x10400] =	vst v63  }
0x1aa: {  	_ = 	snop  }
0x1ab: {  	[tilespmem:s24], [sflag:$0x1] =	stream.indirect_vreg.gather [hbm4b:s1+s4], $0x80, v3, vm0, $0xb8;
	[tilespmem:$0x10400] =	vst v63  }
0x1ac: {  	v3 =	vld [tilespmem:$0x120];
	_ =	sdelay $0x4  }
0x1ad: {  	v26 =	vshll.u32 v3, $0x1  }
0x1ae: {  	v3 =	vand.u32 $0x7, v3;
	v4 =	vand.u32 $0xFFFFFFF0, v26  }
0x1af: {  	v3 =	vor.u32 v3, v4  }
0x1b0: {  	v4 =	vperm.xlane v3, v0;
	_ =	sdelay $0x1  }
0x1b1: {  	v3 =	vperm.xlane v3, v2;
	v4 =	vadd.s32 v1, v4;
	_ =	sdelay $0x1  }
0x1b2: {  	v3 =	vadd.s32 v1, v3;
	_ =	sdelay $0x1  }
0x1b3: {  	s15 =	simm.s32 $0x2400  }
0x1b4: {  	[tilespmem:s15], [sflag:$0x1] =	stream.indirect_vreg.gather [hbm4b:s1+s4], $0x80, v4, vm0, $0xb8;
	[tilespmem:$0x10400] =	vst v63  }
0x1b5: {  	_ = 	snop  }
0x1b6: {  	[tilespmem:s25], [sflag:$0x1] =	stream.indirect_vreg.gather [hbm4b:s1+s4], $0x80, v3, vm0, $0xb8;
	[tilespmem:$0x10400] =	vst v63  }
0x1b7: {  	v3 =	vld [tilespmem:$0x130];
	_ =	sdelay $0x4  }
0x1b8: {  	v27 =	vshll.u32 v3, $0x1  }
0x1b9: {  	v3 =	vand.u32 $0x7, v3;
	v4 =	vand.u32 $0xFFFFFFF0, v27  }
0x1ba: {  	v3 =	vor.u32 v3, v4  }
0x1bb: {  	v4 =	vperm.xlane v3, v0;
	_ =	sdelay $0x1  }
0x1bc: {  	v3 =	vperm.xlane v3, v2;
	v4 =	vadd.s32 v1, v4;
	_ =	sdelay $0x1  }
0x1bd: {  	v3 =	vadd.s32 v1, v3;
	_ =	sdelay $0x1  }
0x1be: {  	s15 =	simm.s32 $0x3400  }
0x1bf: {  	[tilespmem:s15], [sflag:$0x1] =	stream.indirect_vreg.gather [hbm4b:s1+s4], $0x80, v4, vm0, $0xb8;
	[tilespmem:$0x10400] =	vst v63  }
0x1c0: {  	s15 =	simm.s32 $0x3C00  }
0x1c1: {  	[tilespmem:s15], [sflag:$0x1] =	stream.indirect_vreg.gather [hbm4b:s1+s4], $0x80, v3, vm0, $0xb8;
	[tilespmem:$0x10400] =	vst v63  }
0x1c2: {  	v3 =	vld [tilespmem:$0x140];
	_ =	sdelay $0x4  }
0x1c3: {  	v28 =	vshll.u32 v3, $0x1  }
0x1c4: {  	v3 =	vand.u32 $0x7, v3;
	v4 =	vand.u32 $0xFFFFFFF0, v28  }
0x1c5: {  	v3 =	vor.u32 v3, v4  }
0x1c6: {  	v4 =	vperm.xlane v3, v0;
	_ =	sdelay $0x1  }
0x1c7: {  	v3 =	vperm.xlane v3, v2;
	v4 =	vadd.s32 v1, v4;
	_ =	sdelay $0x1  }
0x1c8: {  	v3 =	vadd.s32 v1, v3;
	_ =	sdelay $0x1  }
0x1c9: {  	s15 =	simm.s32 $0x4400  }
0x1ca: {  	[tilespmem:s15], [sflag:$0x1] =	stream.indirect_vreg.gather [hbm4b:s1+s4], $0x80, v4, vm0, $0xb8;
	[tilespmem:$0x10400] =	vst v63  }
0x1cb: {  	_ = 	snop  }
0x1cc: {  	[tilespmem:s28], [sflag:$0x1] =	stream.indirect_vreg.gather [hbm4b:s1+s4], $0x80, v3, vm0, $0xb8;
	[tilespmem:$0x10400] =	vst v63  }
0x1cd: {  	v3 =	vld [tilespmem:$0x150];
	_ =	sdelay $0x4  }
0x1ce: {  	v29 =	vshll.u32 v3, $0x1  }
0x1cf: {  	v3 =	vand.u32 $0x7, v3;
	v4 =	vand.u32 $0xFFFFFFF0, v29  }
0x1d0: {  	v3 =	vor.u32 v3, v4  }
0x1d1: {  	v4 =	vperm.xlane v3, v0;
	_ =	sdelay $0x1  }
0x1d2: {  	v3 =	vperm.xlane v3, v2;
	v4 =	vadd.s32 v1, v4;
	_ =	sdelay $0x1  }
0x1d3: {  	v3 =	vadd.s32 v1, v3;
	_ =	sdelay $0x2  }
0x1d4: {  	[tilespmem:s26], [sflag:$0x1] =	stream.indirect_vreg.gather [hbm4b:s1+s4], $0x80, v4, vm0, $0xb8;
	[tilespmem:$0x10400] =	vst v63  }
0x1d5: {  	s15 =	simm.s32 $0x5C00  }
0x1d6: {  	[tilespmem:s15], [sflag:$0x1] =	stream.indirect_vreg.gather [hbm4b:s1+s4], $0x80, v3, vm0, $0xb8;
	[tilespmem:$0x10400] =	vst v63  }
0x1d7: {  	v3 =	vld [tilespmem:$0x160];
	_ =	sdelay $0x4  }
0x1d8: {  	v30 =	vshll.u32 v3, $0x1  }
0x1d9: {  	v3 =	vand.u32 $0x7, v3;
	v4 =	vand.u32 $0xFFFFFFF0, v30  }
0x1da: {  	v3 =	vor.u32 v3, v4  }
0x1db: {  	v4 =	vperm.xlane v3, v0;
	_ =	sdelay $0x1  }
0x1dc: {  	v3 =	vperm.xlane v3, v2;
	v4 =	vadd.s32 v1, v4;
	_ =	sdelay $0x1  }
0x1dd: {  	v3 =	vadd.s32 v1, v3;
	_ =	sdelay $0x2  }
0x1de: {  	[tilespmem:s29], [sflag:$0x1] =	stream.indirect_vreg.gather [hbm4b:s1+s4], $0x80, v4, vm0, $0xb8;
	[tilespmem:$0x10400] =	vst v63  }
0x1df: {  	_ = 	snop  }
0x1e0: {  	[tilespmem:s30], [sflag:$0x1] =	stream.indirect_vreg.gather [hbm4b:s1+s4], $0x80, v3, vm0, $0xb8;
	[tilespmem:$0x10400] =	vst v63  }
0x1e1: {  	v3 =	vld [tilespmem:$0x170];
	_ =	sdelay $0x4  }
0x1e2: {  	v31 =	vshll.u32 v3, $0x1  }
0x1e3: {  	v3 =	vand.u32 $0x7, v3;
	v4 =	vand.u32 $0xFFFFFFF0, v31  }
0x1e4: {  	v3 =	vor.u32 v3, v4  }
0x1e5: {  	v4 =	vperm.xlane v3, v0;
	_ =	sdelay $0x1  }
0x1e6: {  	v3 =	vperm.xlane v3, v2;
	v4 =	vadd.s32 v1, v4;
	_ =	sdelay $0x1  }
0x1e7: {  	v3 =	vadd.s32 v1, v3;
	_ =	sdelay $0x2  }
0x1e8: {  	[tilespmem:s31], [sflag:$0x1] =	stream.indirect_vreg.gather [hbm4b:s1+s4], $0x80, v4, vm0, $0xb8;
	[tilespmem:$0x10400] =	vst v63  }
0x1e9: {  	_ = 	snop  }
0x1ea: {  	[tilespmem:s19], [sflag:$0x1] =	stream.indirect_vreg.gather [hbm4b:s1+s4], $0x80, v3, vm0, $0xb8;
	[tilespmem:$0x10400] =	vst v63  }
0x1eb: {  	v3 =	vld [tilespmem:$0x100];
	_ =	sdelay $0x4  }
0x1ec: {  	v32 =	vshll.u32 v3, $0x1  }
0x1ed: {  	v3 =	vand.u32 $0x7, v3;
	v4 =	vand.u32 $0xFFFFFFF0, v32  }
0x1ee: {  	v3 =	vor.u32 v3, v4  }
0x1ef: {  	v4 =	vperm.xlane v3, v0;
	_ =	sdelay $0x1  }
0x1f0: {  	v3 =	vperm.xlane v3, v2;
	v4 =	vadd.s32 v1, v4;
	_ =	sdelay $0x1  }
0x1f1: {  	v3 =	vadd.s32 v1, v3;
	_ =	sdelay $0x2  }
0x1f2: {  	[tilespmem:s23], [sflag:$0x1] =	stream.indirect_vreg.gather [hbm4b:s2+s4], $0x80, v4, vm0, $0xb8;
	[tilespmem:$0x10400] =	vst v63  }
0x1f3: {  	_ = 	snop  }
0x1f4: {  	[tilespmem:s18], [sflag:$0x1] =	stream.indirect_vreg.gather [hbm4b:s2+s4], $0x80, v3, vm0, $0xb8;
	[tilespmem:$0x10400] =	vst v63  }
0x1f5: {  	v3 =	vld [tilespmem:$0x110];
	_ =	sdelay $0x4  }
0x1f6: {  	v33 =	vshll.u32 v3, $0x1  }
0x1f7: {  	v3 =	vand.u32 $0x7, v3;
	v4 =	vand.u32 $0xFFFFFFF0, v33  }
0x1f8: {  	v3 =	vor.u32 v3, v4  }
0x1f9: {  	v4 =	vperm.xlane v3, v0;
	_ =	sdelay $0x1  }
0x1fa: {  	v3 =	vperm.xlane v3, v2;
	v4 =	vadd.s32 v1, v4;
	_ =	sdelay $0x1  }
0x1fb: {  	v3 =	vadd.s32 v1, v3;
	_ =	sdelay $0x2  }
0x1fc: {  	[tilespmem:s9], [sflag:$0x1] =	stream.indirect_vreg.gather [hbm4b:s2+s4], $0x80, v4, vm0, $0xb8;
	[tilespmem:$0x10400] =	vst v63  }
0x1fd: {  	_ = 	snop  }
0x1fe: {  	[tilespmem:s20], [sflag:$0x1] =	stream.indirect_vreg.gather [hbm4b:s2+s4], $0x80, v3, vm0, $0xb8;
	[tilespmem:$0x10400] =	vst v63  }
0x1ff: {  	v3 =	vld [tilespmem:$0x120];
	_ =	sdelay $0x4  }
0x200: {  	v34 =	vshll.u32 v3, $0x1  }
0x201: {  	v3 =	vand.u32 $0x7, v3;
	v4 =	vand.u32 $0xFFFFFFF0, v34  }
0x202: {  	v3 =	vor.u32 v3, v4  }
0x203: {  	v4 =	vperm.xlane v3, v0;
	_ =	sdelay $0x1  }
0x204: {  	v3 =	vperm.xlane v3, v2;
	v4 =	vadd.s32 v1, v4;
	_ =	sdelay $0x1  }
0x205: {  	v3 =	vadd.s32 v1, v3;
	_ =	sdelay $0x1  }
0x206: {  	s10 =	simm.s32 $0xA400  }
0x207: {  	[tilespmem:s10], [sflag:$0x1] =	stream.indirect_vreg.gather [hbm4b:s2+s4], $0x80, v4, vm0, $0xb8;
	[tilespmem:$0x10400] =	vst v63  }
0x208: {  	_ = 	snop  }
0x209: {  	[tilespmem:s21], [sflag:$0x1] =	stream.indirect_vreg.gather [hbm4b:s2+s4], $0x80, v3, vm0, $0xb8;
	[tilespmem:$0x10400] =	vst v63  }
0x20a: {  	v3 =	vld [tilespmem:$0x130];
	_ =	sdelay $0x4  }
0x20b: {  	v35 =	vshll.u32 v3, $0x1  }
0x20c: {  	v3 =	vand.u32 $0x7, v3;
	v4 =	vand.u32 $0xFFFFFFF0, v35  }
0x20d: {  	v3 =	vor.u32 v3, v4  }
0x20e: {  	v4 =	vperm.xlane v3, v0;
	_ =	sdelay $0x1  }
0x20f: {  	v3 =	vperm.xlane v3, v2;
	v4 =	vadd.s32 v1, v4;
	_ =	sdelay $0x1  }
0x210: {  	v3 =	vadd.s32 v1, v3;
	_ =	sdelay $0x1  }
0x211: {  	s12 =	simm.s32 $0xB400  }
0x212: {  	[tilespmem:s12], [sflag:$0x1] =	stream.indirect_vreg.gather [hbm4b:s2+s4], $0x80, v4, vm0, $0xb8;
	[tilespmem:$0x10400] =	vst v63  }
0x213: {  	s22 =	simm.s32 $0xBC00  }
0x214: {  	[tilespmem:s22], [sflag:$0x1] =	stream.indirect_vreg.gather [hbm4b:s2+s4], $0x80, v3, vm0, $0xb8;
	[tilespmem:$0x10400] =	vst v63  }
0x215: {  	v3 =	vld [tilespmem:$0x140];
	_ =	sdelay $0x4  }
0x216: {  	v36 =	vshll.u32 v3, $0x1  }
0x217: {  	v3 =	vand.u32 $0x7, v3;
	v4 =	vand.u32 $0xFFFFFFF0, v36  }
0x218: {  	v3 =	vor.u32 v3, v4  }
0x219: {  	v4 =	vperm.xlane v3, v0;
	_ =	sdelay $0x1  }
0x21a: {  	v3 =	vperm.xlane v3, v2;
	v4 =	vadd.s32 v1, v4;
	_ =	sdelay $0x1  }
0x21b: {  	v3 =	vadd.s32 v1, v3;
	_ =	sdelay $0x1  }
0x21c: {  	s0 =	simm.s32 $0xC400  }
0x21d: {  	[tilespmem:s0], [sflag:$0x1] =	stream.indirect_vreg.gather [hbm4b:s2+s4], $0x80, v4, vm0, $0xb8;
	[tilespmem:$0x10400] =	vst v63  }
0x21e: {  	s11 =	simm.s32 $0xCC00  }
0x21f: {  	[tilespmem:s11], [sflag:$0x1] =	stream.indirect_vreg.gather [hbm4b:s2+s4], $0x80, v3, vm0, $0xb8;
	[tilespmem:$0x10400] =	vst v63  }
0x220: {  	v3 =	vld [tilespmem:$0x150];
	_ =	sdelay $0x4  }
0x221: {  	v37 =	vshll.u32 v3, $0x1  }
0x222: {  	v3 =	vand.u32 $0x7, v3;
	v4 =	vand.u32 $0xFFFFFFF0, v37  }
0x223: {  	v3 =	vor.u32 v3, v4  }
0x224: {  	v4 =	vperm.xlane v3, v0;
	_ =	sdelay $0x1  }
0x225: {  	v3 =	vperm.xlane v3, v2;
	v4 =	vadd.s32 v1, v4;
	_ =	sdelay $0x1  }
0x226: {  	v3 =	vadd.s32 v1, v3;
	_ =	sdelay $0x1  }
0x227: {  	s3 =	simm.s32 $0xD400  }
0x228: {  	[tilespmem:s3], [sflag:$0x1] =	stream.indirect_vreg.gather [hbm4b:s2+s4], $0x80, v4, vm0, $0xb8;
	[tilespmem:$0x10400] =	vst v63  }
0x229: {  	s13 =	simm.s32 $0xDC00  }
0x22a: {  	[tilespmem:s13], [sflag:$0x1] =	stream.indirect_vreg.gather [hbm4b:s2+s4], $0x80, v3, vm0, $0xb8;
	[tilespmem:$0x10400] =	vst v63  }
0x22b: {  	v3 =	vld [tilespmem:$0x160];
	_ =	sdelay $0x4  }
0x22c: {  	v38 =	vshll.u32 v3, $0x1  }
0x22d: {  	v3 =	vand.u32 $0x7, v3;
	v4 =	vand.u32 $0xFFFFFFF0, v38  }
0x22e: {  	v3 =	vor.u32 v3, v4  }
0x22f: {  	v4 =	vperm.xlane v3, v0;
	_ =	sdelay $0x1  }
0x230: {  	v3 =	vperm.xlane v3, v2;
	v4 =	vadd.s32 v1, v4;
	_ =	sdelay $0x1  }
0x231: {  	v3 =	vadd.s32 v1, v3;
	_ =	sdelay $0x1  }
0x232: {  	s5 =	simm.s32 $0xE400  }
0x233: {  	[tilespmem:s5], [sflag:$0x1] =	stream.indirect_vreg.gather [hbm4b:s2+s4], $0x80, v4, vm0, $0xb8;
	[tilespmem:$0x10400] =	vst v63  }
0x234: {  	s16 =	simm.s32 $0xEC00  }
0x235: {  	[tilespmem:s16], [sflag:$0x1] =	stream.indirect_vreg.gather [hbm4b:s2+s4], $0x80, v3, vm0, $0xb8;
	[tilespmem:$0x10400] =	vst v63  }
0x236: {  	v3 =	vld [tilespmem:$0x170];
	_ =	sdelay $0x4  }
0x237: {  	v39 =	vshll.u32 v3, $0x1  }
0x238: {  	v3 =	vand.u32 $0x7, v3;
	v4 =	vand.u32 $0xFFFFFFF0, v39  }
0x239: {  	v3 =	vor.u32 v3, v4  }
0x23a: {  	v4 =	vperm.xlane v3, v0;
	_ =	sdelay $0x1  }
0x23b: {  	v3 =	vperm.xlane v3, v2;
	v4 =	vadd.s32 v1, v4;
	_ =	sdelay $0x1  }
0x23c: {  	v3 =	vadd.s32 v1, v3;
	_ =	sdelay $0x1  }
0x23d: {  	s8 =	simm.s32 $0xF400  }
0x23e: {  	[tilespmem:s8], [sflag:$0x1] =	stream.indirect_vreg.gather [hbm4b:s2+s4], $0x80, v4, vm0, $0xb8;
	[tilespmem:$0x10400] =	vst v63  }
0x23f: {  	s17 =	simm.s32 $0xFC00  }
0x240: {  	[tilespmem:s17], [sflag:$0x1] =	stream.indirect_vreg.gather [hbm4b:s2+s4], $0x80, v3, vm0, $0xb8;
	[tilespmem:$0x10400] =	vst v63  }
0x241: {  	_ =	swait.ge [sflag:s14], $0x8000  }
0x242: {  	[sflag:s14] =	ssyncset.done $0x0  }
0x243: {  	[sflag:s14] =	ssyncadd.s32 $0xFFFF8000  }
0x244: {  	_ =	swait.ge [sflag:s14], $0x8000  }
0x245: {  	[sflag:s14] =	ssyncset.done $0x0  }
0x246: {  	s16 =	rddreg [dreg:$0xb];
	[sflag:s14] =	ssyncadd.s32 $0xFFFF8000  }
0x247: {  	[hbm4b:s16+s4] =	stream.linear.scatter [tilespmem:s7], [sflag:$0x2], $0x8000, $0x38;
	[tilespmem:$0x10400] =	vst v63  }
0x248: {  	_ =	swait.ge [sflag:s6], $0x8000  }
0x249: {  	[sflag:s6] =	ssyncset.done $0x0  }
0x24a: {  	s17 =	rddreg [dreg:$0xc];
	[sflag:s6] =	ssyncadd.s32 $0xFFFF8000  }
0x24b: {  	[hbm4b:s17+s4] =	stream.linear.scatter [tilespmem:s23], [sflag:$0x2], $0x8000, $0x38;
	[tilespmem:$0x10400] =	vst v63  }
0x24c: {  	_ =	swait.ge [sflag:s6], $0x8000  }
0x24d: {  	[sflag:s6] =	ssyncset.done $0x0  }
0x24e: {  	[sflag:s6] =	ssyncadd.s32 $0xFFFF8000  }
0x24f: {  	v3 =	vld [tilespmem:$0x180];
	_ =	sdelay $0x4  }
0x250: {  	v40 =	vshll.u32 v3, $0x1  }
0x251: {  	v3 =	vand.u32 $0x7, v3;
	v4 =	vand.u32 $0xFFFFFFF0, v40  }
0x252: {  	v3 =	vor.u32 v3, v4  }
0x253: {  	v4 =	vperm.xlane v3, v0;
	_ =	sdelay $0x1  }
0x254: {  	v3 =	vperm.xlane v3, v2;
	v4 =	vadd.s32 v1, v4;
	_ =	sdelay $0x1  }
0x255: {  	v3 =	vadd.s32 v1, v3;
	_ =	sdelay $0x2  }
0x256: {  	[tilespmem:s7], [sflag:$0x1] =	stream.indirect_vreg.gather [hbm4b:s1+s4], $0x80, v4, vm0, $0xb8;
	[tilespmem:$0x10400] =	vst v63  }
0x257: {  	s16 =	simm.s32 $0xC00  }
0x258: {  	[tilespmem:s16], [sflag:$0x1] =	stream.indirect_vreg.gather [hbm4b:s1+s4], $0x80, v3, vm0, $0xb8;
	[tilespmem:$0x10400] =	vst v63  }
0x259: {  	v3 =	vld [tilespmem:$0x190];
	_ =	sdelay $0x4  }
0x25a: {  	v41 =	vshll.u32 v3, $0x1  }
0x25b: {  	v3 =	vand.u32 $0x7, v3;
	v4 =	vand.u32 $0xFFFFFFF0, v41  }
0x25c: {  	v3 =	vor.u32 v3, v4  }
0x25d: {  	v4 =	vperm.xlane v3, v0;
	_ =	sdelay $0x1  }
0x25e: {  	v3 =	vperm.xlane v3, v2;
	v4 =	vadd.s32 v1, v4;
	_ =	sdelay $0x1  }
0x25f: {  	v3 =	vadd.s32 v1, v3;
	_ =	sdelay $0x1  }
0x260: {  	s17 =	simm.s32 $0x1400  }
0x261: {  	[tilespmem:s17], [sflag:$0x1] =	stream.indirect_vreg.gather [hbm4b:s1+s4], $0x80, v4, vm0, $0xb8;
	[tilespmem:$0x10400] =	vst v63  }
0x262: {  	s24 =	simm.s32 $0x1C00  }
0x263: {  	[tilespmem:s24], [sflag:$0x1] =	stream.indirect_vreg.gather [hbm4b:s1+s4], $0x80, v3, vm0, $0xb8;
	[tilespmem:$0x10400] =	vst v63  }
0x264: {  	v3 =	vld [tilespmem:$0x1A0];
	_ =	sdelay $0x4  }
0x265: {  	v42 =	vshll.u32 v3, $0x1  }
0x266: {  	v3 =	vand.u32 $0x7, v3;
	v4 =	vand.u32 $0xFFFFFFF0, v42  }
0x267: {  	v3 =	vor.u32 v3, v4  }
0x268: {  	v4 =	vperm.xlane v3, v0;
	_ =	sdelay $0x1  }
0x269: {  	v3 =	vperm.xlane v3, v2;
	v4 =	vadd.s32 v1, v4;
	_ =	sdelay $0x1  }
0x26a: {  	v3 =	vadd.s32 v1, v3;
	_ =	sdelay $0x1  }
0x26b: {  	s16 =	simm.s32 $0x2400  }
0x26c: {  	[tilespmem:s16], [sflag:$0x1] =	stream.indirect_vreg.gather [hbm4b:s1+s4], $0x80, v4, vm0, $0xb8;
	[tilespmem:$0x10400] =	vst v63  }
0x26d: {  	s25 =	simm.s32 $0x2C00  }
0x26e: {  	[tilespmem:s25], [sflag:$0x1] =	stream.indirect_vreg.gather [hbm4b:s1+s4], $0x80, v3, vm0, $0xb8;
	[tilespmem:$0x10400] =	vst v63  }
0x26f: {  	v3 =	vld [tilespmem:$0x1B0];
	_ =	sdelay $0x4  }
0x270: {  	v43 =	vshll.u32 v3, $0x1  }
0x271: {  	v3 =	vand.u32 $0x7, v3;
	v4 =	vand.u32 $0xFFFFFFF0, v43  }
0x272: {  	v3 =	vor.u32 v3, v4  }
0x273: {  	v4 =	vperm.xlane v3, v0;
	_ =	sdelay $0x1  }
0x274: {  	v3 =	vperm.xlane v3, v2;
	v4 =	vadd.s32 v1, v4;
	_ =	sdelay $0x1  }
0x275: {  	v3 =	vadd.s32 v1, v3;
	_ =	sdelay $0x1  }
0x276: {  	s17 =	simm.s32 $0x3400  }
0x277: {  	[tilespmem:s17], [sflag:$0x1] =	stream.indirect_vreg.gather [hbm4b:s1+s4], $0x80, v4, vm0, $0xb8;
	[tilespmem:$0x10400] =	vst v63  }
0x278: {  	s16 =	simm.s32 $0x3C00  }
0x279: {  	[tilespmem:s16], [sflag:$0x1] =	stream.indirect_vreg.gather [hbm4b:s1+s4], $0x80, v3, vm0, $0xb8;
	[tilespmem:$0x10400] =	vst v63  }
0x27a: {  	v3 =	vld [tilespmem:$0x1C0];
	_ =	sdelay $0x4  }
0x27b: {  	v44 =	vshll.u32 v3, $0x1  }
0x27c: {  	v3 =	vand.u32 $0x7, v3;
	v4 =	vand.u32 $0xFFFFFFF0, v44  }
0x27d: {  	v3 =	vor.u32 v3, v4  }
0x27e: {  	v4 =	vperm.xlane v3, v0;
	_ =	sdelay $0x1  }
0x27f: {  	v3 =	vperm.xlane v3, v2;
	v4 =	vadd.s32 v1, v4;
	_ =	sdelay $0x1  }
0x280: {  	v3 =	vadd.s32 v1, v3;
	_ =	sdelay $0x1  }
0x281: {  	s17 =	simm.s32 $0x4400  }
0x282: {  	[tilespmem:s17], [sflag:$0x1] =	stream.indirect_vreg.gather [hbm4b:s1+s4], $0x80, v4, vm0, $0xb8;
	[tilespmem:$0x10400] =	vst v63  }
0x283: {  	s28 =	simm.s32 $0x4C00  }
0x284: {  	[tilespmem:s28], [sflag:$0x1] =	stream.indirect_vreg.gather [hbm4b:s1+s4], $0x80, v3, vm0, $0xb8;
	[tilespmem:$0x10400] =	vst v63  }
0x285: {  	v3 =	vld [tilespmem:$0x1D0];
	_ =	sdelay $0x4  }
0x286: {  	v45 =	vshll.u32 v3, $0x1  }
0x287: {  	v3 =	vand.u32 $0x7, v3;
	v4 =	vand.u32 $0xFFFFFFF0, v45  }
0x288: {  	v3 =	vor.u32 v3, v4  }
0x289: {  	v4 =	vperm.xlane v3, v0;
	_ =	sdelay $0x1  }
0x28a: {  	v3 =	vperm.xlane v3, v2;
	v4 =	vadd.s32 v1, v4;
	_ =	sdelay $0x1  }
0x28b: {  	v3 =	vadd.s32 v1, v3;
	_ =	sdelay $0x1  }
0x28c: {  	s26 =	simm.s32 $0x5400  }
0x28d: {  	[tilespmem:s26], [sflag:$0x1] =	stream.indirect_vreg.gather [hbm4b:s1+s4], $0x80, v4, vm0, $0xb8;
	[tilespmem:$0x10400] =	vst v63  }
0x28e: {  	s16 =	simm.s32 $0x5C00  }
0x28f: {  	[tilespmem:s16], [sflag:$0x1] =	stream.indirect_vreg.gather [hbm4b:s1+s4], $0x80, v3, vm0, $0xb8;
	[tilespmem:$0x10400] =	vst v63  }
0x290: {  	v3 =	vld [tilespmem:$0x1E0];
	_ =	sdelay $0x4  }
0x291: {  	v46 =	vshll.u32 v3, $0x1  }
0x292: {  	v3 =	vand.u32 $0x7, v3;
	v4 =	vand.u32 $0xFFFFFFF0, v46  }
0x293: {  	v3 =	vor.u32 v3, v4  }
0x294: {  	v4 =	vperm.xlane v3, v0;
	_ =	sdelay $0x1  }
0x295: {  	v3 =	vperm.xlane v3, v2;
	v4 =	vadd.s32 v1, v4;
	_ =	sdelay $0x1  }
0x296: {  	v3 =	vadd.s32 v1, v3;
	_ =	sdelay $0x1  }
0x297: {  	s29 =	simm.s32 $0x6400  }
0x298: {  	[tilespmem:s29], [sflag:$0x1] =	stream.indirect_vreg.gather [hbm4b:s1+s4], $0x80, v4, vm0, $0xb8;
	[tilespmem:$0x10400] =	vst v63  }
0x299: {  	s30 =	simm.s32 $0x6C00  }
0x29a: {  	[tilespmem:s30], [sflag:$0x1] =	stream.indirect_vreg.gather [hbm4b:s1+s4], $0x80, v3, vm0, $0xb8;
	[tilespmem:$0x10400] =	vst v63  }
0x29b: {  	v3 =	vld [tilespmem:$0x1F0];
	_ =	sdelay $0x4  }
0x29c: {  	v47 =	vshll.u32 v3, $0x1  }
0x29d: {  	v3 =	vand.u32 $0x7, v3;
	v4 =	vand.u32 $0xFFFFFFF0, v47  }
0x29e: {  	v3 =	vor.u32 v3, v4  }
0x29f: {  	v4 =	vperm.xlane v3, v0;
	_ =	sdelay $0x1  }
0x2a0: {  	v3 =	vperm.xlane v3, v2;
	v4 =	vadd.s32 v1, v4;
	_ =	sdelay $0x1  }
0x2a1: {  	v3 =	vadd.s32 v1, v3;
	_ =	sdelay $0x1  }
0x2a2: {  	s17 =	simm.s32 $0x7400  }
0x2a3: {  	[tilespmem:s17], [sflag:$0x1] =	stream.indirect_vreg.gather [hbm4b:s1+s4], $0x80, v4, vm0, $0xb8;
	[tilespmem:$0x10400] =	vst v63  }
0x2a4: {  	s19 =	simm.s32 $0x7C00  }
0x2a5: {  	[tilespmem:s19], [sflag:$0x1] =	stream.indirect_vreg.gather [hbm4b:s1+s4], $0x80, v3, vm0, $0xb8;
	[tilespmem:$0x10400] =	vst v63  }
0x2a6: {  	v3 =	vld [tilespmem:$0x180];
	_ =	sdelay $0x4  }
0x2a7: {  	v48 =	vshll.u32 v3, $0x1  }
0x2a8: {  	v3 =	vand.u32 $0x7, v3;
	v4 =	vand.u32 $0xFFFFFFF0, v48  }
0x2a9: {  	v3 =	vor.u32 v3, v4  }
0x2aa: {  	v4 =	vperm.xlane v3, v0;
	_ =	sdelay $0x1  }
0x2ab: {  	v3 =	vperm.xlane v3, v2;
	v4 =	vadd.s32 v1, v4;
	_ =	sdelay $0x1  }
0x2ac: {  	v3 =	vadd.s32 v1, v3;
	_ =	sdelay $0x2  }
0x2ad: {  	[tilespmem:s23], [sflag:$0x1] =	stream.indirect_vreg.gather [hbm4b:s2+s4], $0x80, v4, vm0, $0xb8;
	[tilespmem:$0x10400] =	vst v63  }
0x2ae: {  	s18 =	simm.s32 $0x8C00  }
0x2af: {  	[tilespmem:s18], [sflag:$0x1] =	stream.indirect_vreg.gather [hbm4b:s2+s4], $0x80, v3, vm0, $0xb8;
	[tilespmem:$0x10400] =	vst v63  }
0x2b0: {  	v3 =	vld [tilespmem:$0x190];
	_ =	sdelay $0x4  }
0x2b1: {  	v49 =	vshll.u32 v3, $0x1  }
0x2b2: {  	v3 =	vand.u32 $0x7, v3;
	v4 =	vand.u32 $0xFFFFFFF0, v49  }
0x2b3: {  	v3 =	vor.u32 v3, v4  }
0x2b4: {  	v4 =	vperm.xlane v3, v0;
	_ =	sdelay $0x1  }
0x2b5: {  	v3 =	vperm.xlane v3, v2;
	v4 =	vadd.s32 v1, v4;
	_ =	sdelay $0x1  }
0x2b6: {  	v3 =	vadd.s32 v1, v3;
	_ =	sdelay $0x1  }
0x2b7: {  	s31 =	simm.s32 $0x9400  }
0x2b8: {  	[tilespmem:s31], [sflag:$0x1] =	stream.indirect_vreg.gather [hbm4b:s2+s4], $0x80, v4, vm0, $0xb8;
	[tilespmem:$0x10400] =	vst v63  }
0x2b9: {  	s20 =	simm.s32 $0x9C00  }
0x2ba: {  	[tilespmem:s20], [sflag:$0x1] =	stream.indirect_vreg.gather [hbm4b:s2+s4], $0x80, v3, vm0, $0xb8;
	[tilespmem:$0x10400] =	vst v63  }
0x2bb: {  	v3 =	vld [tilespmem:$0x1A0];
	_ =	sdelay $0x4  }
0x2bc: {  	v50 =	vshll.u32 v3, $0x1  }
0x2bd: {  	v3 =	vand.u32 $0x7, v3;
	v4 =	vand.u32 $0xFFFFFFF0, v50  }
0x2be: {  	v3 =	vor.u32 v3, v4  }
0x2bf: {  	v4 =	vperm.xlane v3, v0;
	_ =	sdelay $0x1  }
0x2c0: {  	v3 =	vperm.xlane v3, v2;
	v4 =	vadd.s32 v1, v4;
	_ =	sdelay $0x1  }
0x2c1: {  	v3 =	vadd.s32 v1, v3;
	_ =	sdelay $0x1  }
0x2c2: {  	s10 =	simm.s32 $0xA400  }
0x2c3: {  	[tilespmem:s10], [sflag:$0x1] =	stream.indirect_vreg.gather [hbm4b:s2+s4], $0x80, v4, vm0, $0xb8;
	[tilespmem:$0x10400] =	vst v63  }
0x2c4: {  	s9 =	simm.s32 $0xAC00  }
0x2c5: {  	[tilespmem:s9], [sflag:$0x1] =	stream.indirect_vreg.gather [hbm4b:s2+s4], $0x80, v3, vm0, $0xb8;
	[tilespmem:$0x10400] =	vst v63  }
0x2c6: {  	v3 =	vld [tilespmem:$0x1B0];
	_ =	sdelay $0x4  }
0x2c7: {  	v51 =	vshll.u32 v3, $0x1  }
0x2c8: {  	v3 =	vand.u32 $0x7, v3;
	v4 =	vand.u32 $0xFFFFFFF0, v51  }
0x2c9: {  	v3 =	vor.u32 v3, v4  }
0x2ca: {  	v4 =	vperm.xlane v3, v0;
	_ =	sdelay $0x1  }
0x2cb: {  	v3 =	vperm.xlane v3, v2;
	v4 =	vadd.s32 v1, v4;
	_ =	sdelay $0x1  }
0x2cc: {  	v3 =	vadd.s32 v1, v3;
	_ =	sdelay $0x1  }
0x2cd: {  	s21 =	simm.s32 $0xB400  }
0x2ce: {  	[tilespmem:s21], [sflag:$0x1] =	stream.indirect_vreg.gather [hbm4b:s2+s4], $0x80, v4, vm0, $0xb8;
	[tilespmem:$0x10400] =	vst v63  }
0x2cf: {  	s31 =	simm.s32 $0xBC00  }
0x2d0: {  	[tilespmem:s31], [sflag:$0x1] =	stream.indirect_vreg.gather [hbm4b:s2+s4], $0x80, v3, vm0, $0xb8;
	[tilespmem:$0x10400] =	vst v63  }
0x2d1: {  	v3 =	vld [tilespmem:$0x1C0];
	_ =	sdelay $0x4  }
0x2d2: {  	v52 =	vshll.u32 v3, $0x1  }
0x2d3: {  	v3 =	vand.u32 $0x7, v3;
	v4 =	vand.u32 $0xFFFFFFF0, v52  }
0x2d4: {  	v3 =	vor.u32 v3, v4  }
0x2d5: {  	v4 =	vperm.xlane v3, v0;
	_ =	sdelay $0x1  }
0x2d6: {  	v3 =	vperm.xlane v3, v2;
	v4 =	vadd.s32 v1, v4;
	_ =	sdelay $0x1  }
0x2d7: {  	v3 =	vadd.s32 v1, v3;
	_ =	sdelay $0x1  }
0x2d8: {  	s22 =	simm.s32 $0xC400  }
0x2d9: {  	[tilespmem:s22], [sflag:$0x1] =	stream.indirect_vreg.gather [hbm4b:s2+s4], $0x80, v4, vm0, $0xb8;
	[tilespmem:$0x10400] =	vst v63  }
0x2da: {  	s11 =	simm.s32 $0xCC00  }
0x2db: {  	[tilespmem:s11], [sflag:$0x1] =	stream.indirect_vreg.gather [hbm4b:s2+s4], $0x80, v3, vm0, $0xb8;
	[tilespmem:$0x10400] =	vst v63  }
0x2dc: {  	v3 =	vld [tilespmem:$0x1D0];
	_ =	sdelay $0x4  }
0x2dd: {  	v53 =	vshll.u32 v3, $0x1  }
0x2de: {  	v3 =	vand.u32 $0x7, v3;
	v4 =	vand.u32 $0xFFFFFFF0, v53  }
0x2df: {  	v3 =	vor.u32 v3, v4  }
0x2e0: {  	v4 =	vperm.xlane v3, v0;
	_ =	sdelay $0x1  }
0x2e1: {  	v3 =	vperm.xlane v3, v2;
	v4 =	vadd.s32 v1, v4;
	_ =	sdelay $0x1  }
0x2e2: {  	v3 =	vadd.s32 v1, v3;
	_ =	sdelay $0x1  }
0x2e3: {  	s0 =	simm.s32 $0xD400  }
0x2e4: {  	[tilespmem:s0], [sflag:$0x1] =	stream.indirect_vreg.gather [hbm4b:s2+s4], $0x80, v4, vm0, $0xb8;
	[tilespmem:$0x10400] =	vst v63  }
0x2e5: {  	s12 =	simm.s32 $0xDC00  }
0x2e6: {  	[tilespmem:s12], [sflag:$0x1] =	stream.indirect_vreg.gather [hbm4b:s2+s4], $0x80, v3, vm0, $0xb8;
	[tilespmem:$0x10400] =	vst v63  }
0x2e7: {  	v3 =	vld [tilespmem:$0x1E0];
	_ =	sdelay $0x4  }
0x2e8: {  	v54 =	vshll.u32 v3, $0x1  }
0x2e9: {  	v3 =	vand.u32 $0x7, v3;
	v4 =	vand.u32 $0xFFFFFFF0, v54  }
0x2ea: {  	v3 =	vor.u32 v3, v4  }
0x2eb: {  	v4 =	vperm.xlane v3, v0;
	_ =	sdelay $0x1  }
0x2ec: {  	v3 =	vperm.xlane v3, v2;
	v4 =	vadd.s32 v1, v4;
	_ =	sdelay $0x1  }
0x2ed: {  	v3 =	vadd.s32 v1, v3;
	_ =	sdelay $0x1  }
0x2ee: {  	s3 =	simm.s32 $0xE400  }
0x2ef: {  	[tilespmem:s3], [sflag:$0x1] =	stream.indirect_vreg.gather [hbm4b:s2+s4], $0x80, v4, vm0, $0xb8;
	[tilespmem:$0x10400] =	vst v63  }
0x2f0: {  	s13 =	simm.s32 $0xEC00  }
0x2f1: {  	[tilespmem:s13], [sflag:$0x1] =	stream.indirect_vreg.gather [hbm4b:s2+s4], $0x80, v3, vm0, $0xb8;
	[tilespmem:$0x10400] =	vst v63  }
0x2f2: {  	v3 =	vld [tilespmem:$0x1F0];
	_ =	sdelay $0x4  }
0x2f3: {  	v55 =	vshll.u32 v3, $0x1  }
0x2f4: {  	v3 =	vand.u32 $0x7, v3;
	v4 =	vand.u32 $0xFFFFFFF0, v55  }
0x2f5: {  	v3 =	vor.u32 v3, v4  }
0x2f6: {  	v4 =	vperm.xlane v3, v0;
	_ =	sdelay $0x1  }
0x2f7: {  	v3 =	vperm.xlane v3, v2;
	v4 =	vadd.s32 v1, v4;
	_ =	sdelay $0x1  }
0x2f8: {  	v3 =	vadd.s32 v1, v3;
	_ =	sdelay $0x1  }
0x2f9: {  	s5 =	simm.s32 $0xF400  }
0x2fa: {  	[tilespmem:s5], [sflag:$0x1] =	stream.indirect_vreg.gather [hbm4b:s2+s4], $0x80, v4, vm0, $0xb8;
	[tilespmem:$0x10400] =	vst v63  }
0x2fb: {  	s8 =	simm.s32 $0xFC00  }
0x2fc: {  	[tilespmem:s8], [sflag:$0x1] =	stream.indirect_vreg.gather [hbm4b:s2+s4], $0x80, v3, vm0, $0xb8;
	[tilespmem:$0x10400] =	vst v63  }
0x2fd: {  	_ =	swait.ge [sflag:s14], $0x8000  }
0x2fe: {  	[sflag:s14] =	ssyncset.done $0x0  }
0x2ff: {  	[sflag:s14] =	ssyncadd.s32 $0xFFFF8000  }
0x300: {  	_ =	swait.ge [sflag:s14], $0x8000  }
0x301: {  	[sflag:s14] =	ssyncset.done $0x0  }
0x302: {  	s8 =	rddreg [dreg:$0xd];
	[sflag:s14] =	ssyncadd.s32 $0xFFFF8000  }
0x303: {  	[hbm4b:s8+s4] =	stream.linear.scatter [tilespmem:s7], [sflag:$0x2], $0x8000, $0x38;
	[tilespmem:$0x10400] =	vst v63  }
0x304: {  	_ =	swait.ge [sflag:s6], $0x8000  }
0x305: {  	[sflag:s6] =	ssyncset.done $0x0  }
0x306: {  	s13 =	rddreg [dreg:$0xe];
	[sflag:s6] =	ssyncadd.s32 $0xFFFF8000  }
0x307: {  	[hbm4b:s13+s4] =	stream.linear.scatter [tilespmem:s23], [sflag:$0x2], $0x8000, $0x38;
	[tilespmem:$0x10400] =	vst v63  }
0x308: {  	_ =	swait.ge [sflag:s6], $0x8000  }
0x309: {  	[sflag:s6] =	ssyncset.done $0x0  }
0x30a: {  	[sflag:s6] =	ssyncadd.s32 $0xFFFF8000  }
0x30b: {  	v3 =	vld [tilespmem:$0x200];
	_ =	sdelay $0x4  }
0x30c: {  	v56 =	vshll.u32 v3, $0x1  }
0x30d: {  	v3 =	vand.u32 $0x7, v3;
	v4 =	vand.u32 $0xFFFFFFF0, v56  }
0x30e: {  	v3 =	vor.u32 v3, v4  }
0x30f: {  	v4 =	vperm.xlane v3, v0;
	_ =	sdelay $0x1  }
0x310: {  	v3 =	vperm.xlane v3, v2;
	v4 =	vadd.s32 v1, v4;
	_ =	sdelay $0x1  }
0x311: {  	v3 =	vadd.s32 v1, v3;
	_ =	sdelay $0x2  }
0x312: {  	[tilespmem:s7], [sflag:$0x1] =	stream.indirect_vreg.gather [hbm4b:s1+s4], $0x80, v4, vm0, $0xb8;
	[tilespmem:$0x10400] =	vst v63  }
0x313: {  	s15 =	simm.s32 $0xC00  }
0x314: {  	[tilespmem:s15], [sflag:$0x1] =	stream.indirect_vreg.gather [hbm4b:s1+s4], $0x80, v3, vm0, $0xb8;
	[tilespmem:$0x10400] =	vst v63  }
0x315: {  	v3 =	vld [tilespmem:$0x210];
	_ =	sdelay $0x4  }
0x316: {  	v57 =	vshll.u32 v3, $0x1  }
0x317: {  	v3 =	vand.u32 $0x7, v3;
	v4 =	vand.u32 $0xFFFFFFF0, v57  }
0x318: {  	v3 =	vor.u32 v3, v4  }
0x319: {  	v4 =	vperm.xlane v3, v0;
	_ =	sdelay $0x1  }
0x31a: {  	v3 =	vperm.xlane v3, v2;
	v4 =	vadd.s32 v1, v4;
	_ =	sdelay $0x1  }
0x31b: {  	v3 =	vadd.s32 v1, v3;
	_ =	sdelay $0x1  }
0x31c: {  	s13 =	simm.s32 $0x1400  }
0x31d: {  	[tilespmem:s13], [sflag:$0x1] =	stream.indirect_vreg.gather [hbm4b:s1+s4], $0x80, v4, vm0, $0xb8;
	[tilespmem:$0x10400] =	vst v63  }
0x31e: {  	s24 =	simm.s32 $0x1C00  }
0x31f: {  	[tilespmem:s24], [sflag:$0x1] =	stream.indirect_vreg.gather [hbm4b:s1+s4], $0x80, v3, vm0, $0xb8;
	[tilespmem:$0x10400] =	vst v63  }
0x320: {  	v3 =	vld [tilespmem:$0x220];
	_ =	sdelay $0x4  }
0x321: {  	v58 =	vshll.u32 v3, $0x1  }
0x322: {  	v3 =	vand.u32 $0x7, v3;
	v4 =	vand.u32 $0xFFFFFFF0, v58  }
0x323: {  	v3 =	vor.u32 v3, v4  }
0x324: {  	v4 =	vperm.xlane v3, v0;
	_ =	sdelay $0x1  }
0x325: {  	v3 =	vperm.xlane v3, v2;
	v4 =	vadd.s32 v1, v4;
	_ =	sdelay $0x1  }
0x326: {  	v3 =	vadd.s32 v1, v3;
	_ =	sdelay $0x1  }
0x327: {  	s15 =	simm.s32 $0x2400  }
0x328: {  	[tilespmem:s15], [sflag:$0x1] =	stream.indirect_vreg.gather [hbm4b:s1+s4], $0x80, v4, vm0, $0xb8;
	[tilespmem:$0x10400] =	vst v63  }
0x329: {  	s25 =	simm.s32 $0x2C00  }
0x32a: {  	[tilespmem:s25], [sflag:$0x1] =	stream.indirect_vreg.gather [hbm4b:s1+s4], $0x80, v3, vm0, $0xb8;
	[tilespmem:$0x10400] =	vst v63  }
0x32b: {  	v3 =	vld [tilespmem:$0x230];
	_ =	sdelay $0x4  }
0x32c: {  	v59 =	vshll.u32 v3, $0x1  }
0x32d: {  	v3 =	vand.u32 $0x7, v3;
	v4 =	vand.u32 $0xFFFFFFF0, v59  }
0x32e: {  	v3 =	vor.u32 v3, v4  }
0x32f: {  	v4 =	vperm.xlane v3, v0;
	_ =	sdelay $0x1  }
0x330: {  	v3 =	vperm.xlane v3, v2;
	v4 =	vadd.s32 v1, v4;
	_ =	sdelay $0x1  }
0x331: {  	v3 =	vadd.s32 v1, v3;
	_ =	sdelay $0x1  }
0x332: {  	s24 =	simm.s32 $0x3400  }
0x333: {  	[tilespmem:s24], [sflag:$0x1] =	stream.indirect_vreg.gather [hbm4b:s1+s4], $0x80, v4, vm0, $0xb8;
	[tilespmem:$0x10400] =	vst v63  }
0x334: {  	s15 =	simm.s32 $0x3C00  }
0x335: {  	[tilespmem:s15], [sflag:$0x1] =	stream.indirect_vreg.gather [hbm4b:s1+s4], $0x80, v3, vm0, $0xb8;
	[tilespmem:$0x10400] =	vst v63  }
0x336: {  	v3 =	vld [tilespmem:$0x240];
	_ =	sdelay $0x4  }
0x337: {  	v60 =	vshll.u32 v3, $0x1  }
0x338: {  	v3 =	vand.u32 $0x7, v3;
	v4 =	vand.u32 $0xFFFFFFF0, v60  }
0x339: {  	v3 =	vor.u32 v3, v4  }
0x33a: {  	v4 =	vperm.xlane v3, v0;
	_ =	sdelay $0x1  }
0x33b: {  	v3 =	vperm.xlane v3, v2;
	v4 =	vadd.s32 v1, v4;
	_ =	sdelay $0x1  }
0x33c: {  	v3 =	vadd.s32 v1, v3;
	_ =	sdelay $0x1  }
0x33d: {  	s24 =	simm.s32 $0x4400  }
0x33e: {  	[tilespmem:s24], [sflag:$0x1] =	stream.indirect_vreg.gather [hbm4b:s1+s4], $0x80, v4, vm0, $0xb8;
	[tilespmem:$0x10400] =	vst v63  }
0x33f: {  	s28 =	simm.s32 $0x4C00  }
0x340: {  	[tilespmem:s28], [sflag:$0x1] =	stream.indirect_vreg.gather [hbm4b:s1+s4], $0x80, v3, vm0, $0xb8;
	[tilespmem:$0x10400] =	vst v63  }
0x341: {  	v3 =	vld [tilespmem:$0x250];
	_ =	sdelay $0x4  }
0x342: {  	v61 =	vshll.u32 v3, $0x1  }
0x343: {  	v3 =	vand.u32 $0x7, v3;
	v4 =	vand.u32 $0xFFFFFFF0, v61  }
0x344: {  	v3 =	vor.u32 v3, v4  }
0x345: {  	v4 =	vperm.xlane v3, v0;
	_ =	sdelay $0x1  }
0x346: {  	v3 =	vperm.xlane v3, v2;
	v4 =	vadd.s32 v1, v4;
	_ =	sdelay $0x1  }
0x347: {  	v3 =	vadd.s32 v1, v3;
	_ =	sdelay $0x1  }
0x348: {  	s26 =	simm.s32 $0x5400  }
0x349: {  	[tilespmem:s26], [sflag:$0x1] =	stream.indirect_vreg.gather [hbm4b:s1+s4], $0x80, v4, vm0, $0xb8;
	[tilespmem:$0x10400] =	vst v63  }
0x34a: {  	s28 =	simm.s32 $0x5C00  }
0x34b: {  	[tilespmem:s28], [sflag:$0x1] =	stream.indirect_vreg.gather [hbm4b:s1+s4], $0x80, v3, vm0, $0xb8;
	[tilespmem:$0x10400] =	vst v63  }
0x34c: {  	v3 =	vld [tilespmem:$0x260];
	_ =	sdelay $0x4  }
0x34d: {  	v62 =	vshll.u32 v3, $0x1  }
0x34e: {  	v3 =	vand.u32 $0x7, v3;
	v4 =	vand.u32 $0xFFFFFFF0, v62  }
0x34f: {  	v3 =	vor.u32 v3, v4  }
0x350: {  	v4 =	vperm.xlane v3, v0;
	_ =	sdelay $0x1  }
0x351: {  	v3 =	vperm.xlane v3, v2;
	v4 =	vadd.s32 v1, v4;
	_ =	sdelay $0x1  }
0x352: {  	v3 =	vadd.s32 v1, v3;
	_ =	sdelay $0x1  }
0x353: {  	s29 =	simm.s32 $0x6400  }
0x354: {  	[tilespmem:s29], [sflag:$0x1] =	stream.indirect_vreg.gather [hbm4b:s1+s4], $0x80, v4, vm0, $0xb8;
	[tilespmem:$0x10400] =	vst v63  }
0x355: {  	s30 =	simm.s32 $0x6C00  }
0x356: {  	[tilespmem:s30], [sflag:$0x1] =	stream.indirect_vreg.gather [hbm4b:s1+s4], $0x80, v3, vm0, $0xb8;
	[tilespmem:$0x10400] =	vst v63  }
0x357: {  	v3 =	vld [tilespmem:$0x270];
	_ =	sdelay $0x4  }
0x358: {  	v63 =	vshll.u32 v3, $0x1  }
0x359: {  	v3 =	vand.u32 $0x7, v3;
	v4 =	vand.u32 $0xFFFFFFF0, v63  }
0x35a: {  	v3 =	vor.u32 v3, v4  }
0x35b: {  	v4 =	vperm.xlane v3, v0;
	_ =	sdelay $0x1  }
0x35c: {  	v3 =	vperm.xlane v3, v2;
	v4 =	vadd.s32 v1, v4;
	_ =	sdelay $0x1  }
0x35d: {  	v3 =	vadd.s32 v1, v3;
	_ =	sdelay $0x1  }
0x35e: {  	s15 =	simm.s32 $0x7400  }
0x35f: {  	[tilespmem:s15], [sflag:$0x1] =	stream.indirect_vreg.gather [hbm4b:s1+s4], $0x80, v4, vm0, $0xb8;
	[tilespmem:$0x10400] =	vst v63  }
0x360: {  	s17 =	simm.s32 $0x7C00  }
0x361: {  	[tilespmem:s17], [sflag:$0x1] =	stream.indirect_vreg.gather [hbm4b:s1+s4], $0x80, v3, vm0, $0xb8;
	[tilespmem:$0x10400] =	vst v63  }
0x362: {  	v3 =	vld [tilespmem:$0x200];
	_ =	sdelay $0x4  }
0x363: {  	v8 =	vshll.u32 v3, $0x1  }
0x364: {  	v3 =	vand.u32 $0x7, v3;
	v4 =	vand.u32 $0xFFFFFFF0, v8  }
0x365: {  	v3 =	vor.u32 v3, v4  }
0x366: {  	v4 =	vperm.xlane v3, v0;
	_ =	sdelay $0x1  }
0x367: {  	v3 =	vperm.xlane v3, v2;
	v4 =	vadd.s32 v1, v4;
	_ =	sdelay $0x1  }
0x368: {  	v3 =	vadd.s32 v1, v3;
	_ =	sdelay $0x2  }
0x369: {  	[tilespmem:s23], [sflag:$0x1] =	stream.indirect_vreg.gather [hbm4b:s2+s4], $0x80, v4, vm0, $0xb8;
	[tilespmem:$0x10400] =	vst v63  }
0x36a: {  	s16 =	simm.s32 $0x8C00  }
0x36b: {  	[tilespmem:s16], [sflag:$0x1] =	stream.indirect_vreg.gather [hbm4b:s2+s4], $0x80, v3, vm0, $0xb8;
	[tilespmem:$0x10400] =	vst v63  }
0x36c: {  	v3 =	vld [tilespmem:$0x210];
	_ =	sdelay $0x4  }
0x36d: {  	v9 =	vshll.u32 v3, $0x1  }
0x36e: {  	v3 =	vand.u32 $0x7, v3;
	v4 =	vand.u32 $0xFFFFFFF0, v9  }
0x36f: {  	v3 =	vor.u32 v3, v4  }
0x370: {  	v4 =	vperm.xlane v3, v0;
	_ =	sdelay $0x1  }
0x371: {  	v3 =	vperm.xlane v3, v2;
	v4 =	vadd.s32 v1, v4;
	_ =	sdelay $0x1  }
0x372: {  	v3 =	vadd.s32 v1, v3;
	_ =	sdelay $0x1  }
0x373: {  	s19 =	simm.s32 $0x9400  }
0x374: {  	[tilespmem:s19], [sflag:$0x1] =	stream.indirect_vreg.gather [hbm4b:s2+s4], $0x80, v4, vm0, $0xb8;
	[tilespmem:$0x10400] =	vst v63  }
0x375: {  	s18 =	simm.s32 $0x9C00  }
0x376: {  	[tilespmem:s18], [sflag:$0x1] =	stream.indirect_vreg.gather [hbm4b:s2+s4], $0x80, v3, vm0, $0xb8;
	[tilespmem:$0x10400] =	vst v63  }
0x377: {  	v3 =	vld [tilespmem:$0x220];
	_ =	sdelay $0x4  }
0x378: {  	v10 =	vshll.u32 v3, $0x1  }
0x379: {  	v3 =	vand.u32 $0x7, v3;
	v4 =	vand.u32 $0xFFFFFFF0, v10  }
0x37a: {  	v3 =	vor.u32 v3, v4  }
0x37b: {  	v4 =	vperm.xlane v3, v0;
	_ =	sdelay $0x1  }
0x37c: {  	v3 =	vperm.xlane v3, v2;
	v4 =	vadd.s32 v1, v4;
	_ =	sdelay $0x1  }
0x37d: {  	v3 =	vadd.s32 v1, v3;
	_ =	sdelay $0x1  }
0x37e: {  	s10 =	simm.s32 $0xA400  }
0x37f: {  	[tilespmem:s10], [sflag:$0x1] =	stream.indirect_vreg.gather [hbm4b:s2+s4], $0x80, v4, vm0, $0xb8;
	[tilespmem:$0x10400] =	vst v63  }
0x380: {  	s9 =	simm.s32 $0xAC00  }
0x381: {  	[tilespmem:s9], [sflag:$0x1] =	stream.indirect_vreg.gather [hbm4b:s2+s4], $0x80, v3, vm0, $0xb8;
	[tilespmem:$0x10400] =	vst v63  }
0x382: {  	v3 =	vld [tilespmem:$0x230];
	_ =	sdelay $0x4  }
0x383: {  	v11 =	vshll.u32 v3, $0x1  }
0x384: {  	v3 =	vand.u32 $0x7, v3;
	v4 =	vand.u32 $0xFFFFFFF0, v11  }
0x385: {  	v3 =	vor.u32 v3, v4  }
0x386: {  	v4 =	vperm.xlane v3, v0;
	_ =	sdelay $0x1  }
0x387: {  	v3 =	vperm.xlane v3, v2;
	v4 =	vadd.s32 v1, v4;
	_ =	sdelay $0x1  }
0x388: {  	v3 =	vadd.s32 v1, v3;
	_ =	sdelay $0x1  }
0x389: {  	s21 =	simm.s32 $0xB400  }
0x38a: {  	[tilespmem:s21], [sflag:$0x1] =	stream.indirect_vreg.gather [hbm4b:s2+s4], $0x80, v4, vm0, $0xb8;
	[tilespmem:$0x10400] =	vst v63  }
0x38b: {  	s21 =	simm.s32 $0xBC00  }
0x38c: {  	[tilespmem:s21], [sflag:$0x1] =	stream.indirect_vreg.gather [hbm4b:s2+s4], $0x80, v3, vm0, $0xb8;
	[tilespmem:$0x10400] =	vst v63  }
0x38d: {  	v3 =	vld [tilespmem:$0x240];
	_ =	sdelay $0x4  }
0x38e: {  	v12 =	vshll.u32 v3, $0x1  }
0x38f: {  	v3 =	vand.u32 $0x7, v3;
	v4 =	vand.u32 $0xFFFFFFF0, v12  }
0x390: {  	v3 =	vor.u32 v3, v4  }
0x391: {  	v4 =	vperm.xlane v3, v0;
	_ =	sdelay $0x1  }
0x392: {  	v3 =	vperm.xlane v3, v2;
	v4 =	vadd.s32 v1, v4;
	_ =	sdelay $0x1  }
0x393: {  	v3 =	vadd.s32 v1, v3;
	_ =	sdelay $0x1  }
0x394: {  	s22 =	simm.s32 $0xC400  }
0x395: {  	[tilespmem:s22], [sflag:$0x1] =	stream.indirect_vreg.gather [hbm4b:s2+s4], $0x80, v4, vm0, $0xb8;
	[tilespmem:$0x10400] =	vst v63  }
0x396: {  	s11 =	simm.s32 $0xCC00  }
0x397: {  	[tilespmem:s11], [sflag:$0x1] =	stream.indirect_vreg.gather [hbm4b:s2+s4], $0x80, v3, vm0, $0xb8;
	[tilespmem:$0x10400] =	vst v63  }
0x398: {  	v3 =	vld [tilespmem:$0x250];
	_ =	sdelay $0x4  }
0x399: {  	v13 =	vshll.u32 v3, $0x1  }
0x39a: {  	v3 =	vand.u32 $0x7, v3;
	v4 =	vand.u32 $0xFFFFFFF0, v13  }
0x39b: {  	v3 =	vor.u32 v3, v4  }
0x39c: {  	v4 =	vperm.xlane v3, v0;
	_ =	sdelay $0x1  }
0x39d: {  	v3 =	vperm.xlane v3, v2;
	v4 =	vadd.s32 v1, v4;
	_ =	sdelay $0x1  }
0x39e: {  	v3 =	vadd.s32 v1, v3;
	_ =	sdelay $0x1  }
0x39f: {  	s31 =	simm.s32 $0xD400  }
0x3a0: {  	[tilespmem:s31], [sflag:$0x1] =	stream.indirect_vreg.gather [hbm4b:s2+s4], $0x80, v4, vm0, $0xb8;
	[tilespmem:$0x10400] =	vst v63  }
0x3a1: {  	s12 =	simm.s32 $0xDC00  }
0x3a2: {  	[tilespmem:s12], [sflag:$0x1] =	stream.indirect_vreg.gather [hbm4b:s2+s4], $0x80, v3, vm0, $0xb8;
	[tilespmem:$0x10400] =	vst v63  }
0x3a3: {  	v3 =	vld [tilespmem:$0x260];
	_ =	sdelay $0x4  }
0x3a4: {  	v14 =	vshll.u32 v3, $0x1  }
0x3a5: {  	v3 =	vand.u32 $0x7, v3;
	v4 =	vand.u32 $0xFFFFFFF0, v14  }
0x3a6: {  	v3 =	vor.u32 v3, v4  }
0x3a7: {  	v4 =	vperm.xlane v3, v0;
	_ =	sdelay $0x1  }
0x3a8: {  	v3 =	vperm.xlane v3, v2;
	v4 =	vadd.s32 v1, v4;
	_ =	sdelay $0x1  }
0x3a9: {  	v3 =	vadd.s32 v1, v3;
	_ =	sdelay $0x1  }
0x3aa: {  	s20 =	simm.s32 $0xE400  }
0x3ab: {  	[tilespmem:s20], [sflag:$0x1] =	stream.indirect_vreg.gather [hbm4b:s2+s4], $0x80, v4, vm0, $0xb8;
	[tilespmem:$0x10400] =	vst v63  }
0x3ac: {  	s3 =	simm.s32 $0xEC00  }
0x3ad: {  	[tilespmem:s3], [sflag:$0x1] =	stream.indirect_vreg.gather [hbm4b:s2+s4], $0x80, v3, vm0, $0xb8;
	[tilespmem:$0x10400] =	vst v63  }
0x3ae: {  	v3 =	vld [tilespmem:$0x270];
	_ =	sdelay $0x4  }
0x3af: {  	v15 =	vshll.u32 v3, $0x1  }
0x3b0: {  	v3 =	vand.u32 $0x7, v3;
	v4 =	vand.u32 $0xFFFFFFF0, v15  }
0x3b1: {  	v3 =	vor.u32 v3, v4  }
0x3b2: {  	v4 =	vperm.xlane v3, v0;
	_ =	sdelay $0x1  }
0x3b3: {  	v3 =	vperm.xlane v3, v2;
	v4 =	vadd.s32 v1, v4;
	_ =	sdelay $0x1  }
0x3b4: {  	v3 =	vadd.s32 v1, v3;
	_ =	sdelay $0x1  }
0x3b5: {  	s0 =	simm.s32 $0xF400  }
0x3b6: {  	[tilespmem:s0], [sflag:$0x1] =	stream.indirect_vreg.gather [hbm4b:s2+s4], $0x80, v4, vm0, $0xb8;
	[tilespmem:$0x10400] =	vst v63  }
0x3b7: {  	s5 =	simm.s32 $0xFC00  }
0x3b8: {  	[tilespmem:s5], [sflag:$0x1] =	stream.indirect_vreg.gather [hbm4b:s2+s4], $0x80, v3, vm0, $0xb8;
	[tilespmem:$0x10400] =	vst v63  }
0x3b9: {  	_ =	swait.ge [sflag:s14], $0x8000  }
0x3ba: {  	[sflag:s14] =	ssyncset.done $0x0  }
0x3bb: {  	[sflag:s14] =	ssyncadd.s32 $0xFFFF8000  }
0x3bc: {  	_ =	swait.ge [sflag:s14], $0x8000  }
0x3bd: {  	[sflag:s14] =	ssyncset.done $0x0  }
0x3be: {  	s31 =	rddreg [dreg:$0xf];
	[sflag:s14] =	ssyncadd.s32 $0xFFFF8000  }
0x3bf: {  	[hbm4b:s31+s4] =	stream.linear.scatter [tilespmem:s7], [sflag:$0x2], $0x8000, $0x38;
	[tilespmem:$0x10400] =	vst v63  }
0x3c0: {  	_ =	swait.ge [sflag:s6], $0x8000  }
0x3c1: {  	[sflag:s6] =	ssyncset.done $0x0  }
0x3c2: {  	s20 =	rddreg [dreg:$0x10];
	[sflag:s6] =	ssyncadd.s32 $0xFFFF8000  }
0x3c3: {  	[hbm4b:s20+s4] =	stream.linear.scatter [tilespmem:s23], [sflag:$0x2], $0x8000, $0x38;
	[tilespmem:$0x10400] =	vst v63  }
0x3c4: {  	_ =	swait.ge [sflag:s6], $0x8000  }
0x3c5: {  	[sflag:s6] =	ssyncset.done $0x0  }
0x3c6: {  	[sflag:s6] =	ssyncadd.s32 $0xFFFF8000  }
0x3c7: {  	v3 =	vld [tilespmem:$0x280];
	_ =	sdelay $0x4  }
0x3c8: {  	v16 =	vshll.u32 v3, $0x1  }
0x3c9: {  	v3 =	vand.u32 $0x7, v3;
	v4 =	vand.u32 $0xFFFFFFF0, v16  }
0x3ca: {  	v3 =	vor.u32 v3, v4  }
0x3cb: {  	v4 =	vperm.xlane v3, v0;
	_ =	sdelay $0x1  }
0x3cc: {  	v3 =	vperm.xlane v3, v2;
	v4 =	vadd.s32 v1, v4;
	_ =	sdelay $0x1  }
0x3cd: {  	v3 =	vadd.s32 v1, v3;
	_ =	sdelay $0x2  }
0x3ce: {  	[tilespmem:s7], [sflag:$0x1] =	stream.indirect_vreg.gather [hbm4b:s1+s4], $0x80, v4, vm0, $0xb8;
	[tilespmem:$0x10400] =	vst v63  }
0x3cf: {  	s31 =	simm.s32 $0xC00  }
0x3d0: {  	[tilespmem:s31], [sflag:$0x1] =	stream.indirect_vreg.gather [hbm4b:s1+s4], $0x80, v3, vm0, $0xb8;
	[tilespmem:$0x10400] =	vst v63  }
0x3d1: {  	v3 =	vld [tilespmem:$0x290];
	_ =	sdelay $0x4  }
0x3d2: {  	v17 =	vshll.u32 v3, $0x1  }
0x3d3: {  	v3 =	vand.u32 $0x7, v3;
	v4 =	vand.u32 $0xFFFFFFF0, v17  }
0x3d4: {  	v3 =	vor.u32 v3, v4  }
0x3d5: {  	v4 =	vperm.xlane v3, v0;
	_ =	sdelay $0x1  }
0x3d6: {  	v3 =	vperm.xlane v3, v2;
	v4 =	vadd.s32 v1, v4;
	_ =	sdelay $0x1  }
0x3d7: {  	v3 =	vadd.s32 v1, v3;
	_ =	sdelay $0x1  }
0x3d8: {  	s20 =	simm.s32 $0x1400  }
0x3d9: {  	[tilespmem:s20], [sflag:$0x1] =	stream.indirect_vreg.gather [hbm4b:s1+s4], $0x80, v4, vm0, $0xb8;
	[tilespmem:$0x10400] =	vst v63  }
0x3da: {  	s8 =	simm.s32 $0x1C00  }
0x3db: {  	[tilespmem:s8], [sflag:$0x1] =	stream.indirect_vreg.gather [hbm4b:s1+s4], $0x80, v3, vm0, $0xb8;
	[tilespmem:$0x10400] =	vst v63  }
0x3dc: {  	v3 =	vld [tilespmem:$0x2A0];
	_ =	sdelay $0x4  }
0x3dd: {  	v18 =	vshll.u32 v3, $0x1  }
0x3de: {  	v3 =	vand.u32 $0x7, v3;
	v4 =	vand.u32 $0xFFFFFFF0, v18  }
0x3df: {  	v3 =	vor.u32 v3, v4  }
0x3e0: {  	v4 =	vperm.xlane v3, v0;
	_ =	sdelay $0x1  }
0x3e1: {  	v3 =	vperm.xlane v3, v2;
	v4 =	vadd.s32 v1, v4;
	_ =	sdelay $0x1  }
0x3e2: {  	v3 =	vadd.s32 v1, v3;
	_ =	sdelay $0x1  }
0x3e3: {  	s31 =	simm.s32 $0x2400  }
0x3e4: {  	[tilespmem:s31], [sflag:$0x1] =	stream.indirect_vreg.gather [hbm4b:s1+s4], $0x80, v4, vm0, $0xb8;
	[tilespmem:$0x10400] =	vst v63  }
0x3e5: {  	s25 =	simm.s32 $0x2C00  }
0x3e6: {  	[tilespmem:s25], [sflag:$0x1] =	stream.indirect_vreg.gather [hbm4b:s1+s4], $0x80, v3, vm0, $0xb8;
	[tilespmem:$0x10400] =	vst v63  }
0x3e7: {  	v3 =	vld [tilespmem:$0x2B0];
	_ =	sdelay $0x4  }
0x3e8: {  	v19 =	vshll.u32 v3, $0x1  }
0x3e9: {  	v3 =	vand.u32 $0x7, v3;
	v4 =	vand.u32 $0xFFFFFFF0, v19  }
0x3ea: {  	v3 =	vor.u32 v3, v4  }
0x3eb: {  	v4 =	vperm.xlane v3, v0;
	_ =	sdelay $0x1  }
0x3ec: {  	v3 =	vperm.xlane v3, v2;
	v4 =	vadd.s32 v1, v4;
	_ =	sdelay $0x1  }
0x3ed: {  	v3 =	vadd.s32 v1, v3;
	_ =	sdelay $0x1  }
0x3ee: {  	s15 =	simm.s32 $0x3400  }
0x3ef: {  	[tilespmem:s15], [sflag:$0x1] =	stream.indirect_vreg.gather [hbm4b:s1+s4], $0x80, v4, vm0, $0xb8;
	[tilespmem:$0x10400] =	vst v63  }
0x3f0: {  	s25 =	simm.s32 $0x3C00  }
0x3f1: {  	[tilespmem:s25], [sflag:$0x1] =	stream.indirect_vreg.gather [hbm4b:s1+s4], $0x80, v3, vm0, $0xb8;
	[tilespmem:$0x10400] =	vst v63  }
0x3f2: {  	v3 =	vld [tilespmem:$0x2C0];
	_ =	sdelay $0x4  }
0x3f3: {  	v20 =	vshll.u32 v3, $0x1  }
0x3f4: {  	v3 =	vand.u32 $0x7, v3;
	v4 =	vand.u32 $0xFFFFFFF0, v20  }
0x3f5: {  	v3 =	vor.u32 v3, v4  }
0x3f6: {  	v4 =	vperm.xlane v3, v0;
	_ =	sdelay $0x1  }
0x3f7: {  	v3 =	vperm.xlane v3, v2;
	v4 =	vadd.s32 v1, v4;
	_ =	sdelay $0x1  }
0x3f8: {  	v3 =	vadd.s32 v1, v3;
	_ =	sdelay $0x1  }
0x3f9: {  	s31 =	simm.s32 $0x4400  }
0x3fa: {  	[tilespmem:s31], [sflag:$0x1] =	stream.indirect_vreg.gather [hbm4b:s1+s4], $0x80, v4, vm0, $0xb8;
	[tilespmem:$0x10400] =	vst v63  }
0x3fb: {  	s24 =	simm.s32 $0x4C00  }
0x3fc: {  	[tilespmem:s24], [sflag:$0x1] =	stream.indirect_vreg.gather [hbm4b:s1+s4], $0x80, v3, vm0, $0xb8;
	[tilespmem:$0x10400] =	vst v63  }
0x3fd: {  	v3 =	vld [tilespmem:$0x2D0];
	_ =	sdelay $0x4  }
0x3fe: {  	v21 =	vshll.u32 v3, $0x1  }
0x3ff: {  	v3 =	vand.u32 $0x7, v3;
	v4 =	vand.u32 $0xFFFFFFF0, v21  }
0x400: {  	v3 =	vor.u32 v3, v4  }
0x401: {  	v4 =	vperm.xlane v3, v0;
	_ =	sdelay $0x1  }
0x402: {  	v3 =	vperm.xlane v3, v2;
	v4 =	vadd.s32 v1, v4;
	_ =	sdelay $0x1  }
0x403: {  	v3 =	vadd.s32 v1, v3;
	_ =	sdelay $0x1  }
0x404: {  	s26 =	simm.s32 $0x5400  }
0x405: {  	[tilespmem:s26], [sflag:$0x1] =	stream.indirect_vreg.gather [hbm4b:s1+s4], $0x80, v4, vm0, $0xb8;
	[tilespmem:$0x10400] =	vst v63  }
0x406: {  	s15 =	simm.s32 $0x5C00  }
0x407: {  	[tilespmem:s15], [sflag:$0x1] =	stream.indirect_vreg.gather [hbm4b:s1+s4], $0x80, v3, vm0, $0xb8;
	[tilespmem:$0x10400] =	vst v63  }
0x408: {  	v3 =	vld [tilespmem:$0x2E0];
	_ =	sdelay $0x4  }
0x409: {  	v22 =	vshll.u32 v3, $0x1  }
0x40a: {  	v3 =	vand.u32 $0x7, v3;
	v4 =	vand.u32 $0xFFFFFFF0, v22  }
0x40b: {  	v3 =	vor.u32 v3, v4  }
0x40c: {  	v4 =	vperm.xlane v3, v0;
	_ =	sdelay $0x1  }
0x40d: {  	v3 =	vperm.xlane v3, v2;
	v4 =	vadd.s32 v1, v4;
	_ =	sdelay $0x1  }
0x40e: {  	v3 =	vadd.s32 v1, v3;
	_ =	sdelay $0x1  }
0x40f: {  	s28 =	simm.s32 $0x6400  }
0x410: {  	[tilespmem:s28], [sflag:$0x1] =	stream.indirect_vreg.gather [hbm4b:s1+s4], $0x80, v4, vm0, $0xb8;
	[tilespmem:$0x10400] =	vst v63  }
0x411: {  	s29 =	simm.s32 $0x6C00  }
0x412: {  	[tilespmem:s29], [sflag:$0x1] =	stream.indirect_vreg.gather [hbm4b:s1+s4], $0x80, v3, vm0, $0xb8;
	[tilespmem:$0x10400] =	vst v63  }
0x413: {  	v3 =	vld [tilespmem:$0x2F0];
	_ =	sdelay $0x4  }
0x414: {  	v23 =	vshll.u32 v3, $0x1  }
0x415: {  	v3 =	vand.u32 $0x7, v3;
	v4 =	vand.u32 $0xFFFFFFF0, v23  }
0x416: {  	v3 =	vor.u32 v3, v4  }
0x417: {  	v4 =	vperm.xlane v3, v0;
	_ =	sdelay $0x1  }
0x418: {  	v3 =	vperm.xlane v3, v2;
	v4 =	vadd.s32 v1, v4;
	_ =	sdelay $0x1  }
0x419: {  	v3 =	vadd.s32 v1, v3;
	_ =	sdelay $0x1  }
0x41a: {  	s30 =	simm.s32 $0x7400  }
0x41b: {  	[tilespmem:s30], [sflag:$0x1] =	stream.indirect_vreg.gather [hbm4b:s1+s4], $0x80, v4, vm0, $0xb8;
	[tilespmem:$0x10400] =	vst v63  }
0x41c: {  	s17 =	simm.s32 $0x7C00  }
0x41d: {  	[tilespmem:s17], [sflag:$0x1] =	stream.indirect_vreg.gather [hbm4b:s1+s4], $0x80, v3, vm0, $0xb8;
	[tilespmem:$0x10400] =	vst v63  }
0x41e: {  	v3 =	vld [tilespmem:$0x280];
	_ =	sdelay $0x4  }
0x41f: {  	v24 =	vshll.u32 v3, $0x1  }
0x420: {  	v3 =	vand.u32 $0x7, v3;
	v4 =	vand.u32 $0xFFFFFFF0, v24  }
0x421: {  	v3 =	vor.u32 v3, v4  }
0x422: {  	v4 =	vperm.xlane v3, v0;
	_ =	sdelay $0x1  }
0x423: {  	v3 =	vperm.xlane v3, v2;
	v4 =	vadd.s32 v1, v4;
	_ =	sdelay $0x1  }
0x424: {  	v3 =	vadd.s32 v1, v3;
	_ =	sdelay $0x2  }
0x425: {  	[tilespmem:s23], [sflag:$0x1] =	stream.indirect_vreg.gather [hbm4b:s2+s4], $0x80, v4, vm0, $0xb8;
	[tilespmem:$0x10400] =	vst v63  }
0x426: {  	s13 =	simm.s32 $0x8C00  }
0x427: {  	[tilespmem:s13], [sflag:$0x1] =	stream.indirect_vreg.gather [hbm4b:s2+s4], $0x80, v3, vm0, $0xb8;
	[tilespmem:$0x10400] =	vst v63  }
0x428: {  	v3 =	vld [tilespmem:$0x290];
	_ =	sdelay $0x4  }
0x429: {  	v25 =	vshll.u32 v3, $0x1  }
0x42a: {  	v3 =	vand.u32 $0x7, v3;
	v4 =	vand.u32 $0xFFFFFFF0, v25  }
0x42b: {  	v3 =	vor.u32 v3, v4  }
0x42c: {  	v4 =	vperm.xlane v3, v0;
	_ =	sdelay $0x1  }
0x42d: {  	v3 =	vperm.xlane v3, v2;
	v4 =	vadd.s32 v1, v4;
	_ =	sdelay $0x1  }
0x42e: {  	v3 =	vadd.s32 v1, v3;
	_ =	sdelay $0x1  }
0x42f: {  	s19 =	simm.s32 $0x9400  }
0x430: {  	[tilespmem:s19], [sflag:$0x1] =	stream.indirect_vreg.gather [hbm4b:s2+s4], $0x80, v4, vm0, $0xb8;
	[tilespmem:$0x10400] =	vst v63  }
0x431: {  	s18 =	simm.s32 $0x9C00  }
0x432: {  	[tilespmem:s18], [sflag:$0x1] =	stream.indirect_vreg.gather [hbm4b:s2+s4], $0x80, v3, vm0, $0xb8;
	[tilespmem:$0x10400] =	vst v63  }
0x433: {  	v3 =	vld [tilespmem:$0x2A0];
	_ =	sdelay $0x4  }
0x434: {  	v26 =	vshll.u32 v3, $0x1  }
0x435: {  	v3 =	vand.u32 $0x7, v3;
	v4 =	vand.u32 $0xFFFFFFF0, v26  }
0x436: {  	v3 =	vor.u32 v3, v4  }
0x437: {  	v4 =	vperm.xlane v3, v0;
	_ =	sdelay $0x1  }
0x438: {  	v3 =	vperm.xlane v3, v2;
	v4 =	vadd.s32 v1, v4;
	_ =	sdelay $0x1  }
0x439: {  	v3 =	vadd.s32 v1, v3;
	_ =	sdelay $0x1  }
0x43a: {  	s10 =	simm.s32 $0xA400  }
0x43b: {  	[tilespmem:s10], [sflag:$0x1] =	stream.indirect_vreg.gather [hbm4b:s2+s4], $0x80, v4, vm0, $0xb8;
	[tilespmem:$0x10400] =	vst v63  }
0x43c: {  	s16 =	simm.s32 $0xAC00  }
0x43d: {  	[tilespmem:s16], [sflag:$0x1] =	stream.indirect_vreg.gather [hbm4b:s2+s4], $0x80, v3, vm0, $0xb8;
	[tilespmem:$0x10400] =	vst v63  }
0x43e: {  	v3 =	vld [tilespmem:$0x2B0];
	_ =	sdelay $0x4  }
0x43f: {  	v27 =	vshll.u32 v3, $0x1  }
0x440: {  	v3 =	vand.u32 $0x7, v3;
	v4 =	vand.u32 $0xFFFFFFF0, v27  }
0x441: {  	v3 =	vor.u32 v3, v4  }
0x442: {  	v4 =	vperm.xlane v3, v0;
	_ =	sdelay $0x1  }
0x443: {  	v3 =	vperm.xlane v3, v2;
	v4 =	vadd.s32 v1, v4;
	_ =	sdelay $0x1  }
0x444: {  	v3 =	vadd.s32 v1, v3;
	_ =	sdelay $0x1  }
0x445: {  	s16 =	simm.s32 $0xB400  }
0x446: {  	[tilespmem:s16], [sflag:$0x1] =	stream.indirect_vreg.gather [hbm4b:s2+s4], $0x80, v4, vm0, $0xb8;
	[tilespmem:$0x10400] =	vst v63  }
0x447: {  	s19 =	simm.s32 $0xBC00  }
0x448: {  	[tilespmem:s19], [sflag:$0x1] =	stream.indirect_vreg.gather [hbm4b:s2+s4], $0x80, v3, vm0, $0xb8;
	[tilespmem:$0x10400] =	vst v63  }
0x449: {  	v3 =	vld [tilespmem:$0x2C0];
	_ =	sdelay $0x4  }
0x44a: {  	v28 =	vshll.u32 v3, $0x1  }
0x44b: {  	v3 =	vand.u32 $0x7, v3;
	v4 =	vand.u32 $0xFFFFFFF0, v28  }
0x44c: {  	v3 =	vor.u32 v3, v4  }
0x44d: {  	v4 =	vperm.xlane v3, v0;
	_ =	sdelay $0x1  }
0x44e: {  	v3 =	vperm.xlane v3, v2;
	v4 =	vadd.s32 v1, v4;
	_ =	sdelay $0x1  }
0x44f: {  	v3 =	vadd.s32 v1, v3;
	_ =	sdelay $0x1  }
0x450: {  	s21 =	simm.s32 $0xC400  }
0x451: {  	[tilespmem:s21], [sflag:$0x1] =	stream.indirect_vreg.gather [hbm4b:s2+s4], $0x80, v4, vm0, $0xb8;
	[tilespmem:$0x10400] =	vst v63  }
0x452: {  	s9 =	simm.s32 $0xCC00  }
0x453: {  	[tilespmem:s9], [sflag:$0x1] =	stream.indirect_vreg.gather [hbm4b:s2+s4], $0x80, v3, vm0, $0xb8;
	[tilespmem:$0x10400] =	vst v63  }
0x454: {  	v3 =	vld [tilespmem:$0x2D0];
	_ =	sdelay $0x4  }
0x455: {  	v29 =	vshll.u32 v3, $0x1  }
0x456: {  	v3 =	vand.u32 $0x7, v3;
	v4 =	vand.u32 $0xFFFFFFF0, v29  }
0x457: {  	v3 =	vor.u32 v3, v4  }
0x458: {  	v4 =	vperm.xlane v3, v0;
	_ =	sdelay $0x1  }
0x459: {  	v3 =	vperm.xlane v3, v2;
	v4 =	vadd.s32 v1, v4;
	_ =	sdelay $0x1  }
0x45a: {  	v3 =	vadd.s32 v1, v3;
	_ =	sdelay $0x1  }
0x45b: {  	s22 =	simm.s32 $0xD400  }
0x45c: {  	[tilespmem:s22], [sflag:$0x1] =	stream.indirect_vreg.gather [hbm4b:s2+s4], $0x80, v4, vm0, $0xb8;
	[tilespmem:$0x10400] =	vst v63  }
0x45d: {  	s11 =	simm.s32 $0xDC00  }
0x45e: {  	[tilespmem:s11], [sflag:$0x1] =	stream.indirect_vreg.gather [hbm4b:s2+s4], $0x80, v3, vm0, $0xb8;
	[tilespmem:$0x10400] =	vst v63  }
0x45f: {  	v3 =	vld [tilespmem:$0x2E0];
	_ =	sdelay $0x4  }
0x460: {  	v30 =	vshll.u32 v3, $0x1  }
0x461: {  	v3 =	vand.u32 $0x7, v3;
	v4 =	vand.u32 $0xFFFFFFF0, v30  }
0x462: {  	v3 =	vor.u32 v3, v4  }
0x463: {  	v4 =	vperm.xlane v3, v0;
	_ =	sdelay $0x1  }
0x464: {  	v3 =	vperm.xlane v3, v2;
	v4 =	vadd.s32 v1, v4;
	_ =	sdelay $0x1  }
0x465: {  	v3 =	vadd.s32 v1, v3;
	_ =	sdelay $0x1  }
0x466: {  	s12 =	simm.s32 $0xE400  }
0x467: {  	[tilespmem:s12], [sflag:$0x1] =	stream.indirect_vreg.gather [hbm4b:s2+s4], $0x80, v4, vm0, $0xb8;
	[tilespmem:$0x10400] =	vst v63  }
0x468: {  	s3 =	simm.s32 $0xEC00  }
0x469: {  	[tilespmem:s3], [sflag:$0x1] =	stream.indirect_vreg.gather [hbm4b:s2+s4], $0x80, v3, vm0, $0xb8;
	[tilespmem:$0x10400] =	vst v63  }
0x46a: {  	v3 =	vld [tilespmem:$0x2F0];
	_ =	sdelay $0x4  }
0x46b: {  	v31 =	vshll.u32 v3, $0x1  }
0x46c: {  	v3 =	vand.u32 $0x7, v3;
	v4 =	vand.u32 $0xFFFFFFF0, v31  }
0x46d: {  	v3 =	vor.u32 v3, v4  }
0x46e: {  	v4 =	vperm.xlane v3, v0;
	_ =	sdelay $0x1  }
0x46f: {  	v3 =	vperm.xlane v3, v2;
	v4 =	vadd.s32 v1, v4;
	_ =	sdelay $0x1  }
0x470: {  	v3 =	vadd.s32 v1, v3;
	_ =	sdelay $0x1  }
0x471: {  	s0 =	simm.s32 $0xF400  }
0x472: {  	[tilespmem:s0], [sflag:$0x1] =	stream.indirect_vreg.gather [hbm4b:s2+s4], $0x80, v4, vm0, $0xb8;
	[tilespmem:$0x10400] =	vst v63  }
0x473: {  	s5 =	simm.s32 $0xFC00  }
0x474: {  	[tilespmem:s5], [sflag:$0x1] =	stream.indirect_vreg.gather [hbm4b:s2+s4], $0x80, v3, vm0, $0xb8;
	[tilespmem:$0x10400] =	vst v63  }
0x475: {  	_ =	swait.ge [sflag:s14], $0x8000  }
0x476: {  	[sflag:s14] =	ssyncset.done $0x0  }
0x477: {  	[sflag:s14] =	ssyncadd.s32 $0xFFFF8000  }
0x478: {  	_ =	swait.ge [sflag:s14], $0x8000  }
0x479: {  	[sflag:s14] =	ssyncset.done $0x0  }
0x47a: {  	s5 =	rddreg [dreg:$0x11];
	[sflag:s14] =	ssyncadd.s32 $0xFFFF8000  }
0x47b: {  	[hbm4b:s5+s4] =	stream.linear.scatter [tilespmem:s7], [sflag:$0x2], $0x8000, $0x38;
	[tilespmem:$0x10400] =	vst v63  }
0x47c: {  	_ =	swait.ge [sflag:s6], $0x8000  }
0x47d: {  	[sflag:s6] =	ssyncset.done $0x0  }
0x47e: {  	s12 =	rddreg [dreg:$0x12];
	[sflag:s6] =	ssyncadd.s32 $0xFFFF8000  }
0x47f: {  	[hbm4b:s12+s4] =	stream.linear.scatter [tilespmem:s23], [sflag:$0x2], $0x8000, $0x38;
	[tilespmem:$0x10400] =	vst v63  }
0x480: {  	_ =	swait.ge [sflag:s6], $0x8000  }
0x481: {  	[sflag:s6] =	ssyncset.done $0x0  }
0x482: {  	[sflag:s6] =	ssyncadd.s32 $0xFFFF8000  }
0x483: {  	v3 =	vld [tilespmem:$0x300];
	_ =	sdelay $0x4  }
0x484: {  	v32 =	vshll.u32 v3, $0x1  }
0x485: {  	v3 =	vand.u32 $0x7, v3;
	v4 =	vand.u32 $0xFFFFFFF0, v32  }
0x486: {  	v3 =	vor.u32 v3, v4  }
0x487: {  	v4 =	vperm.xlane v3, v0;
	_ =	sdelay $0x1  }
0x488: {  	v3 =	vperm.xlane v3, v2;
	v4 =	vadd.s32 v1, v4;
	_ =	sdelay $0x1  }
0x489: {  	v3 =	vadd.s32 v1, v3;
	_ =	sdelay $0x2  }
0x48a: {  	[tilespmem:s7], [sflag:$0x1] =	stream.indirect_vreg.gather [hbm4b:s1+s4], $0x80, v4, vm0, $0xb8;
	[tilespmem:$0x10400] =	vst v63  }
0x48b: {  	s21 =	simm.s32 $0xC00  }
0x48c: {  	[tilespmem:s21], [sflag:$0x1] =	stream.indirect_vreg.gather [hbm4b:s1+s4], $0x80, v3, vm0, $0xb8;
	[tilespmem:$0x10400] =	vst v63  }
0x48d: {  	v3 =	vld [tilespmem:$0x310];
	_ =	sdelay $0x4  }
0x48e: {  	v33 =	vshll.u32 v3, $0x1  }
0x48f: {  	v3 =	vand.u32 $0x7, v3;
	v4 =	vand.u32 $0xFFFFFFF0, v33  }
0x490: {  	v3 =	vor.u32 v3, v4  }
0x491: {  	v4 =	vperm.xlane v3, v0;
	_ =	sdelay $0x1  }
0x492: {  	v3 =	vperm.xlane v3, v2;
	v4 =	vadd.s32 v1, v4;
	_ =	sdelay $0x1  }
0x493: {  	v3 =	vadd.s32 v1, v3;
	_ =	sdelay $0x1  }
0x494: {  	s22 =	simm.s32 $0x1400  }
0x495: {  	[tilespmem:s22], [sflag:$0x1] =	stream.indirect_vreg.gather [hbm4b:s1+s4], $0x80, v4, vm0, $0xb8;
	[tilespmem:$0x10400] =	vst v63  }
0x496: {  	s5 =	simm.s32 $0x1C00  }
0x497: {  	[tilespmem:s5], [sflag:$0x1] =	stream.indirect_vreg.gather [hbm4b:s1+s4], $0x80, v3, vm0, $0xb8;
	[tilespmem:$0x10400] =	vst v63  }
0x498: {  	v3 =	vld [tilespmem:$0x320];
	_ =	sdelay $0x4  }
0x499: {  	v34 =	vshll.u32 v3, $0x1  }
0x49a: {  	v3 =	vand.u32 $0x7, v3;
	v4 =	vand.u32 $0xFFFFFFF0, v34  }
0x49b: {  	v3 =	vor.u32 v3, v4  }
0x49c: {  	v4 =	vperm.xlane v3, v0;
	_ =	sdelay $0x1  }
0x49d: {  	v3 =	vperm.xlane v3, v2;
	v4 =	vadd.s32 v1, v4;
	_ =	sdelay $0x1  }
0x49e: {  	v3 =	vadd.s32 v1, v3;
	_ =	sdelay $0x1  }
0x49f: {  	s12 =	simm.s32 $0x2400  }
0x4a0: {  	[tilespmem:s12], [sflag:$0x1] =	stream.indirect_vreg.gather [hbm4b:s1+s4], $0x80, v4, vm0, $0xb8;
	[tilespmem:$0x10400] =	vst v63  }
0x4a1: {  	s20 =	simm.s32 $0x2C00  }
0x4a2: {  	[tilespmem:s20], [sflag:$0x1] =	stream.indirect_vreg.gather [hbm4b:s1+s4], $0x80, v3, vm0, $0xb8;
	[tilespmem:$0x10400] =	vst v63  }
0x4a3: {  	v3 =	vld [tilespmem:$0x330];
	_ =	sdelay $0x4  }
0x4a4: {  	v35 =	vshll.u32 v3, $0x1  }
0x4a5: {  	v3 =	vand.u32 $0x7, v3;
	v4 =	vand.u32 $0xFFFFFFF0, v35  }
0x4a6: {  	v3 =	vor.u32 v3, v4  }
0x4a7: {  	v4 =	vperm.xlane v3, v0;
	_ =	sdelay $0x1  }
0x4a8: {  	v3 =	vperm.xlane v3, v2;
	v4 =	vadd.s32 v1, v4;
	_ =	sdelay $0x1  }
0x4a9: {  	v3 =	vadd.s32 v1, v3;
	_ =	sdelay $0x1  }
0x4aa: {  	s15 =	simm.s32 $0x3400  }
0x4ab: {  	[tilespmem:s15], [sflag:$0x1] =	stream.indirect_vreg.gather [hbm4b:s1+s4], $0x80, v4, vm0, $0xb8;
	[tilespmem:$0x10400] =	vst v63  }
0x4ac: {  	s20 =	simm.s32 $0x3C00  }
0x4ad: {  	[tilespmem:s20], [sflag:$0x1] =	stream.indirect_vreg.gather [hbm4b:s1+s4], $0x80, v3, vm0, $0xb8;
	[tilespmem:$0x10400] =	vst v63  }
0x4ae: {  	v3 =	vld [tilespmem:$0x340];
	_ =	sdelay $0x4  }
0x4af: {  	v36 =	vshll.u32 v3, $0x1  }
0x4b0: {  	v3 =	vand.u32 $0x7, v3;
	v4 =	vand.u32 $0xFFFFFFF0, v36  }
0x4b1: {  	v3 =	vor.u32 v3, v4  }
0x4b2: {  	v4 =	vperm.xlane v3, v0;
	_ =	sdelay $0x1  }
0x4b3: {  	v3 =	vperm.xlane v3, v2;
	v4 =	vadd.s32 v1, v4;
	_ =	sdelay $0x1  }
0x4b4: {  	v3 =	vadd.s32 v1, v3;
	_ =	sdelay $0x1  }
0x4b5: {  	s21 =	simm.s32 $0x4400  }
0x4b6: {  	[tilespmem:s21], [sflag:$0x1] =	stream.indirect_vreg.gather [hbm4b:s1+s4], $0x80, v4, vm0, $0xb8;
	[tilespmem:$0x10400] =	vst v63  }
0x4b7: {  	s24 =	simm.s32 $0x4C00  }
0x4b8: {  	[tilespmem:s24], [sflag:$0x1] =	stream.indirect_vreg.gather [hbm4b:s1+s4], $0x80, v3, vm0, $0xb8;
	[tilespmem:$0x10400] =	vst v63  }
0x4b9: {  	v3 =	vld [tilespmem:$0x350];
	_ =	sdelay $0x4  }
0x4ba: {  	v37 =	vshll.u32 v3, $0x1  }
0x4bb: {  	v3 =	vand.u32 $0x7, v3;
	v4 =	vand.u32 $0xFFFFFFF0, v37  }
0x4bc: {  	v3 =	vor.u32 v3, v4  }
0x4bd: {  	v4 =	vperm.xlane v3, v0;
	_ =	sdelay $0x1  }
0x4be: {  	v3 =	vperm.xlane v3, v2;
	v4 =	vadd.s32 v1, v4;
	_ =	sdelay $0x1  }
0x4bf: {  	v3 =	vadd.s32 v1, v3;
	_ =	sdelay $0x1  }
0x4c0: {  	s25 =	simm.s32 $0x5400  }
0x4c1: {  	[tilespmem:s25], [sflag:$0x1] =	stream.indirect_vreg.gather [hbm4b:s1+s4], $0x80, v4, vm0, $0xb8;
	[tilespmem:$0x10400] =	vst v63  }
0x4c2: {  	s12 =	simm.s32 $0x5C00  }
0x4c3: {  	[tilespmem:s12], [sflag:$0x1] =	stream.indirect_vreg.gather [hbm4b:s1+s4], $0x80, v3, vm0, $0xb8;
	[tilespmem:$0x10400] =	vst v63  }
0x4c4: {  	v3 =	vld [tilespmem:$0x360];
	_ =	sdelay $0x4  }
0x4c5: {  	v38 =	vshll.u32 v3, $0x1  }
0x4c6: {  	v3 =	vand.u32 $0x7, v3;
	v4 =	vand.u32 $0xFFFFFFF0, v38  }
0x4c7: {  	v3 =	vor.u32 v3, v4  }
0x4c8: {  	v4 =	vperm.xlane v3, v0;
	_ =	sdelay $0x1  }
0x4c9: {  	v3 =	vperm.xlane v3, v2;
	v4 =	vadd.s32 v1, v4;
	_ =	sdelay $0x1  }
0x4ca: {  	v3 =	vadd.s32 v1, v3;
	_ =	sdelay $0x1  }
0x4cb: {  	s26 =	simm.s32 $0x6400  }
0x4cc: {  	[tilespmem:s26], [sflag:$0x1] =	stream.indirect_vreg.gather [hbm4b:s1+s4], $0x80, v4, vm0, $0xb8;
	[tilespmem:$0x10400] =	vst v63  }
0x4cd: {  	s28 =	simm.s32 $0x6C00  }
0x4ce: {  	[tilespmem:s28], [sflag:$0x1] =	stream.indirect_vreg.gather [hbm4b:s1+s4], $0x80, v3, vm0, $0xb8;
	[tilespmem:$0x10400] =	vst v63  }
0x4cf: {  	v3 =	vld [tilespmem:$0x370];
	_ =	sdelay $0x4  }
0x4d0: {  	v39 =	vshll.u32 v3, $0x1  }
0x4d1: {  	v3 =	vand.u32 $0x7, v3;
	v4 =	vand.u32 $0xFFFFFFF0, v39  }
0x4d2: {  	v3 =	vor.u32 v3, v4  }
0x4d3: {  	v4 =	vperm.xlane v3, v0;
	_ =	sdelay $0x1  }
0x4d4: {  	v3 =	vperm.xlane v3, v2;
	v4 =	vadd.s32 v1, v4;
	_ =	sdelay $0x1  }
0x4d5: {  	v3 =	vadd.s32 v1, v3;
	_ =	sdelay $0x1  }
0x4d6: {  	s29 =	simm.s32 $0x7400  }
0x4d7: {  	[tilespmem:s29], [sflag:$0x1] =	stream.indirect_vreg.gather [hbm4b:s1+s4], $0x80, v4, vm0, $0xb8;
	[tilespmem:$0x10400] =	vst v63  }
0x4d8: {  	s17 =	simm.s32 $0x7C00  }
0x4d9: {  	[tilespmem:s17], [sflag:$0x1] =	stream.indirect_vreg.gather [hbm4b:s1+s4], $0x80, v3, vm0, $0xb8;
	[tilespmem:$0x10400] =	vst v63  }
0x4da: {  	v3 =	vld [tilespmem:$0x300];
	_ =	sdelay $0x4  }
0x4db: {  	v40 =	vshll.u32 v3, $0x1  }
0x4dc: {  	v3 =	vand.u32 $0x7, v3;
	v4 =	vand.u32 $0xFFFFFFF0, v40  }
0x4dd: {  	v3 =	vor.u32 v3, v4  }
0x4de: {  	v4 =	vperm.xlane v3, v0;
	_ =	sdelay $0x1  }
0x4df: {  	v3 =	vperm.xlane v3, v2;
	v4 =	vadd.s32 v1, v4;
	_ =	sdelay $0x1  }
0x4e0: {  	v3 =	vadd.s32 v1, v3;
	_ =	sdelay $0x2  }
0x4e1: {  	[tilespmem:s23], [sflag:$0x1] =	stream.indirect_vreg.gather [hbm4b:s2+s4], $0x80, v4, vm0, $0xb8;
	[tilespmem:$0x10400] =	vst v63  }
0x4e2: {  	s8 =	simm.s32 $0x8C00  }
0x4e3: {  	[tilespmem:s8], [sflag:$0x1] =	stream.indirect_vreg.gather [hbm4b:s2+s4], $0x80, v3, vm0, $0xb8;
	[tilespmem:$0x10400] =	vst v63  }
0x4e4: {  	v3 =	vld [tilespmem:$0x310];
	_ =	sdelay $0x4  }
0x4e5: {  	v41 =	vshll.u32 v3, $0x1  }
0x4e6: {  	v3 =	vand.u32 $0x7, v3;
	v4 =	vand.u32 $0xFFFFFFF0, v41  }
0x4e7: {  	v3 =	vor.u32 v3, v4  }
0x4e8: {  	v4 =	vperm.xlane v3, v0;
	_ =	sdelay $0x1  }
0x4e9: {  	v3 =	vperm.xlane v3, v2;
	v4 =	vadd.s32 v1, v4;
	_ =	sdelay $0x1  }
0x4ea: {  	v3 =	vadd.s32 v1, v3;
	_ =	sdelay $0x1  }
0x4eb: {  	s30 =	simm.s32 $0x9400  }
0x4ec: {  	[tilespmem:s30], [sflag:$0x1] =	stream.indirect_vreg.gather [hbm4b:s2+s4], $0x80, v4, vm0, $0xb8;
	[tilespmem:$0x10400] =	vst v63  }
0x4ed: {  	s31 =	simm.s32 $0x9C00  }
0x4ee: {  	[tilespmem:s31], [sflag:$0x1] =	stream.indirect_vreg.gather [hbm4b:s2+s4], $0x80, v3, vm0, $0xb8;
	[tilespmem:$0x10400] =	vst v63  }
0x4ef: {  	v3 =	vld [tilespmem:$0x320];
	_ =	sdelay $0x4  }
0x4f0: {  	v42 =	vshll.u32 v3, $0x1  }
0x4f1: {  	v3 =	vand.u32 $0x7, v3;
	v4 =	vand.u32 $0xFFFFFFF0, v42  }
0x4f2: {  	v3 =	vor.u32 v3, v4  }
0x4f3: {  	v4 =	vperm.xlane v3, v0;
	_ =	sdelay $0x1  }
0x4f4: {  	v3 =	vperm.xlane v3, v2;
	v4 =	vadd.s32 v1, v4;
	_ =	sdelay $0x1  }
0x4f5: {  	v3 =	vadd.s32 v1, v3;
	_ =	sdelay $0x1  }
0x4f6: {  	s18 =	simm.s32 $0xA400  }
0x4f7: {  	[tilespmem:s18], [sflag:$0x1] =	stream.indirect_vreg.gather [hbm4b:s2+s4], $0x80, v4, vm0, $0xb8;
	[tilespmem:$0x10400] =	vst v63  }
0x4f8: {  	s10 =	simm.s32 $0xAC00  }
0x4f9: {  	[tilespmem:s10], [sflag:$0x1] =	stream.indirect_vreg.gather [hbm4b:s2+s4], $0x80, v3, vm0, $0xb8;
	[tilespmem:$0x10400] =	vst v63  }
0x4fa: {  	v3 =	vld [tilespmem:$0x330];
	_ =	sdelay $0x4  }
0x4fb: {  	v43 =	vshll.u32 v3, $0x1  }
0x4fc: {  	v3 =	vand.u32 $0x7, v3;
	v4 =	vand.u32 $0xFFFFFFF0, v43  }
0x4fd: {  	v3 =	vor.u32 v3, v4  }
0x4fe: {  	v4 =	vperm.xlane v3, v0;
	_ =	sdelay $0x1  }
0x4ff: {  	v3 =	vperm.xlane v3, v2;
	v4 =	vadd.s32 v1, v4;
	_ =	sdelay $0x1  }
0x500: {  	v3 =	vadd.s32 v1, v3;
	_ =	sdelay $0x1  }
0x501: {  	s13 =	simm.s32 $0xB400  }
0x502: {  	[tilespmem:s13], [sflag:$0x1] =	stream.indirect_vreg.gather [hbm4b:s2+s4], $0x80, v4, vm0, $0xb8;
	[tilespmem:$0x10400] =	vst v63  }
0x503: {  	s15 =	simm.s32 $0xBC00  }
0x504: {  	[tilespmem:s15], [sflag:$0x1] =	stream.indirect_vreg.gather [hbm4b:s2+s4], $0x80, v3, vm0, $0xb8;
	[tilespmem:$0x10400] =	vst v63  }
0x505: {  	v3 =	vld [tilespmem:$0x340];
	_ =	sdelay $0x4  }
0x506: {  	v44 =	vshll.u32 v3, $0x1  }
0x507: {  	v3 =	vand.u32 $0x7, v3;
	v4 =	vand.u32 $0xFFFFFFF0, v44  }
0x508: {  	v3 =	vor.u32 v3, v4  }
0x509: {  	v4 =	vperm.xlane v3, v0;
	_ =	sdelay $0x1  }
0x50a: {  	v3 =	vperm.xlane v3, v2;
	v4 =	vadd.s32 v1, v4;
	_ =	sdelay $0x1  }
0x50b: {  	v3 =	vadd.s32 v1, v3;
	_ =	sdelay $0x1  }
0x50c: {  	s16 =	simm.s32 $0xC400  }
0x50d: {  	[tilespmem:s16], [sflag:$0x1] =	stream.indirect_vreg.gather [hbm4b:s2+s4], $0x80, v4, vm0, $0xb8;
	[tilespmem:$0x10400] =	vst v63  }
0x50e: {  	s9 =	simm.s32 $0xCC00  }
0x50f: {  	[tilespmem:s9], [sflag:$0x1] =	stream.indirect_vreg.gather [hbm4b:s2+s4], $0x80, v3, vm0, $0xb8;
	[tilespmem:$0x10400] =	vst v63  }
0x510: {  	v3 =	vld [tilespmem:$0x350];
	_ =	sdelay $0x4  }
0x511: {  	v45 =	vshll.u32 v3, $0x1  }
0x512: {  	v3 =	vand.u32 $0x7, v3;
	v4 =	vand.u32 $0xFFFFFFF0, v45  }
0x513: {  	v3 =	vor.u32 v3, v4  }
0x514: {  	v4 =	vperm.xlane v3, v0;
	_ =	sdelay $0x1  }
0x515: {  	v3 =	vperm.xlane v3, v2;
	v4 =	vadd.s32 v1, v4;
	_ =	sdelay $0x1  }
0x516: {  	v3 =	vadd.s32 v1, v3;
	_ =	sdelay $0x1  }
0x517: {  	s16 =	simm.s32 $0xD400  }
0x518: {  	[tilespmem:s16], [sflag:$0x1] =	stream.indirect_vreg.gather [hbm4b:s2+s4], $0x80, v4, vm0, $0xb8;
	[tilespmem:$0x10400] =	vst v63  }
0x519: {  	s18 =	simm.s32 $0xDC00  }
0x51a: {  	[tilespmem:s18], [sflag:$0x1] =	stream.indirect_vreg.gather [hbm4b:s2+s4], $0x80, v3, vm0, $0xb8;
	[tilespmem:$0x10400] =	vst v63  }
0x51b: {  	v3 =	vld [tilespmem:$0x360];
	_ =	sdelay $0x4  }
0x51c: {  	v46 =	vshll.u32 v3, $0x1  }
0x51d: {  	v3 =	vand.u32 $0x7, v3;
	v4 =	vand.u32 $0xFFFFFFF0, v46  }
0x51e: {  	v3 =	vor.u32 v3, v4  }
0x51f: {  	v4 =	vperm.xlane v3, v0;
	_ =	sdelay $0x1  }
0x520: {  	v3 =	vperm.xlane v3, v2;
	v4 =	vadd.s32 v1, v4;
	_ =	sdelay $0x1  }
0x521: {  	v3 =	vadd.s32 v1, v3;
	_ =	sdelay $0x1  }
0x522: {  	s11 =	simm.s32 $0xE400  }
0x523: {  	[tilespmem:s11], [sflag:$0x1] =	stream.indirect_vreg.gather [hbm4b:s2+s4], $0x80, v4, vm0, $0xb8;
	[tilespmem:$0x10400] =	vst v63  }
0x524: {  	s19 =	simm.s32 $0xEC00  }
0x525: {  	[tilespmem:s19], [sflag:$0x1] =	stream.indirect_vreg.gather [hbm4b:s2+s4], $0x80, v3, vm0, $0xb8;
	[tilespmem:$0x10400] =	vst v63  }
0x526: {  	v3 =	vld [tilespmem:$0x370];
	_ =	sdelay $0x4  }
0x527: {  	v47 =	vshll.u32 v3, $0x1  }
0x528: {  	v3 =	vand.u32 $0x7, v3;
	v4 =	vand.u32 $0xFFFFFFF0, v47  }
0x529: {  	v3 =	vor.u32 v3, v4  }
0x52a: {  	v4 =	vperm.xlane v3, v0;
	_ =	sdelay $0x1  }
0x52b: {  	v3 =	vperm.xlane v3, v2;
	v4 =	vadd.s32 v1, v4;
	_ =	sdelay $0x1  }
0x52c: {  	v3 =	vadd.s32 v1, v3;
	_ =	sdelay $0x1  }
0x52d: {  	s3 =	simm.s32 $0xF400  }
0x52e: {  	[tilespmem:s3], [sflag:$0x1] =	stream.indirect_vreg.gather [hbm4b:s2+s4], $0x80, v4, vm0, $0xb8;
	[tilespmem:$0x10400] =	vst v63  }
0x52f: {  	s15 =	simm.s32 $0xFC00  }
0x530: {  	[tilespmem:s15], [sflag:$0x1] =	stream.indirect_vreg.gather [hbm4b:s2+s4], $0x80, v3, vm0, $0xb8;
	[tilespmem:$0x10400] =	vst v63  }
0x531: {  	_ =	swait.ge [sflag:s14], $0x8000  }
0x532: {  	[sflag:s14] =	ssyncset.done $0x0  }
0x533: {  	[sflag:s14] =	ssyncadd.s32 $0xFFFF8000  }
0x534: {  	_ =	swait.ge [sflag:s14], $0x8000  }
0x535: {  	[sflag:s14] =	ssyncset.done $0x0  }
0x536: {  	s19 =	rddreg [dreg:$0x13];
	[sflag:s14] =	ssyncadd.s32 $0xFFFF8000  }
0x537: {  	[hbm4b:s19+s4] =	stream.linear.scatter [tilespmem:s7], [sflag:$0x2], $0x8000, $0x38;
	[tilespmem:$0x10400] =	vst v63  }
0x538: {  	_ =	swait.ge [sflag:s6], $0x8000  }
0x539: {  	[sflag:s6] =	ssyncset.done $0x0  }
0x53a: {  	s19 =	rddreg [dreg:$0x14];
	[sflag:s6] =	ssyncadd.s32 $0xFFFF8000  }
0x53b: {  	[hbm4b:s19+s4] =	stream.linear.scatter [tilespmem:s23], [sflag:$0x2], $0x8000, $0x38;
	[tilespmem:$0x10400] =	vst v63  }
0x53c: {  	_ =	swait.ge [sflag:s6], $0x8000  }
0x53d: {  	[sflag:s6] =	ssyncset.done $0x0  }
0x53e: {  	[sflag:s6] =	ssyncadd.s32 $0xFFFF8000  }
0x53f: {  	v3 =	vld [tilespmem:$0x380];
	_ =	sdelay $0x4  }
0x540: {  	v48 =	vshll.u32 v3, $0x1  }
0x541: {  	v3 =	vand.u32 $0x7, v3;
	v4 =	vand.u32 $0xFFFFFFF0, v48  }
0x542: {  	v3 =	vor.u32 v3, v4  }
0x543: {  	v4 =	vperm.xlane v3, v0;
	_ =	sdelay $0x1  }
0x544: {  	v3 =	vperm.xlane v3, v2;
	v4 =	vadd.s32 v1, v4;
	_ =	sdelay $0x1  }
0x545: {  	v3 =	vadd.s32 v1, v3;
	_ =	sdelay $0x2  }
0x546: {  	[tilespmem:s7], [sflag:$0x1] =	stream.indirect_vreg.gather [hbm4b:s1+s4], $0x80, v4, vm0, $0xb8;
	[tilespmem:$0x10400] =	vst v63  }
0x547: {  	s19 =	simm.s32 $0xC00  }
0x548: {  	[tilespmem:s19], [sflag:$0x1] =	stream.indirect_vreg.gather [hbm4b:s1+s4], $0x80, v3, vm0, $0xb8;
	[tilespmem:$0x10400] =	vst v63  }
0x549: {  	v3 =	vld [tilespmem:$0x390];
	_ =	sdelay $0x4  }
0x54a: {  	v49 =	vshll.u32 v3, $0x1  }
0x54b: {  	v3 =	vand.u32 $0x7, v3;
	v4 =	vand.u32 $0xFFFFFFF0, v49  }
0x54c: {  	v3 =	vor.u32 v3, v4  }
0x54d: {  	v4 =	vperm.xlane v3, v0;
	_ =	sdelay $0x1  }
0x54e: {  	v3 =	vperm.xlane v3, v2;
	v4 =	vadd.s32 v1, v4;
	_ =	sdelay $0x1  }
0x54f: {  	v3 =	vadd.s32 v1, v3;
	_ =	sdelay $0x1  }
0x550: {  	s19 =	simm.s32 $0x1400  }
0x551: {  	[tilespmem:s19], [sflag:$0x1] =	stream.indirect_vreg.gather [hbm4b:s1+s4], $0x80, v4, vm0, $0xb8;
	[tilespmem:$0x10400] =	vst v63  }
0x552: {  	s22 =	simm.s32 $0x1C00  }
0x553: {  	[tilespmem:s22], [sflag:$0x1] =	stream.indirect_vreg.gather [hbm4b:s1+s4], $0x80, v3, vm0, $0xb8;
	[tilespmem:$0x10400] =	vst v63  }
0x554: {  	v3 =	vld [tilespmem:$0x3A0];
	_ =	sdelay $0x4  }
0x555: {  	v50 =	vshll.u32 v3, $0x1  }
0x556: {  	v3 =	vand.u32 $0x7, v3;
	v4 =	vand.u32 $0xFFFFFFF0, v50  }
0x557: {  	v3 =	vor.u32 v3, v4  }
0x558: {  	v4 =	vperm.xlane v3, v0;
	_ =	sdelay $0x1  }
0x559: {  	v3 =	vperm.xlane v3, v2;
	v4 =	vadd.s32 v1, v4;
	_ =	sdelay $0x1  }
0x55a: {  	v3 =	vadd.s32 v1, v3;
	_ =	sdelay $0x1  }
0x55b: {  	s19 =	simm.s32 $0x2400  }
0x55c: {  	[tilespmem:s19], [sflag:$0x1] =	stream.indirect_vreg.gather [hbm4b:s1+s4], $0x80, v4, vm0, $0xb8;
	[tilespmem:$0x10400] =	vst v63  }
0x55d: {  	s0 =	simm.s32 $0x2C00  }
0x55e: {  	[tilespmem:s0], [sflag:$0x1] =	stream.indirect_vreg.gather [hbm4b:s1+s4], $0x80, v3, vm0, $0xb8;
	[tilespmem:$0x10400] =	vst v63  }
0x55f: {  	v3 =	vld [tilespmem:$0x3B0];
	_ =	sdelay $0x4  }
0x560: {  	v51 =	vshll.u32 v3, $0x1  }
0x561: {  	v3 =	vand.u32 $0x7, v3;
	v4 =	vand.u32 $0xFFFFFFF0, v51  }
0x562: {  	v3 =	vor.u32 v3, v4  }
0x563: {  	v4 =	vperm.xlane v3, v0;
	_ =	sdelay $0x1  }
0x564: {  	v3 =	vperm.xlane v3, v2;
	v4 =	vadd.s32 v1, v4;
	_ =	sdelay $0x1  }
0x565: {  	v3 =	vadd.s32 v1, v3;
	_ =	sdelay $0x1  }
0x566: {  	s22 =	simm.s32 $0x3400  }
0x567: {  	[tilespmem:s22], [sflag:$0x1] =	stream.indirect_vreg.gather [hbm4b:s1+s4], $0x80, v4, vm0, $0xb8;
	[tilespmem:$0x10400] =	vst v63  }
0x568: {  	s15 =	simm.s32 $0x3C00  }
0x569: {  	[tilespmem:s15], [sflag:$0x1] =	stream.indirect_vreg.gather [hbm4b:s1+s4], $0x80, v3, vm0, $0xb8;
	[tilespmem:$0x10400] =	vst v63  }
0x56a: {  	v3 =	vld [tilespmem:$0x3C0];
	_ =	sdelay $0x4  }
0x56b: {  	v52 =	vshll.u32 v3, $0x1  }
0x56c: {  	v3 =	vand.u32 $0x7, v3;
	v4 =	vand.u32 $0xFFFFFFF0, v52  }
0x56d: {  	v3 =	vor.u32 v3, v4  }
0x56e: {  	v4 =	vperm.xlane v3, v0;
	_ =	sdelay $0x1  }
0x56f: {  	v3 =	vperm.xlane v3, v2;
	v4 =	vadd.s32 v1, v4;
	_ =	sdelay $0x1  }
0x570: {  	v3 =	vadd.s32 v1, v3;
	_ =	sdelay $0x1  }
0x571: {  	s19 =	simm.s32 $0x4400  }
0x572: {  	[tilespmem:s19], [sflag:$0x1] =	stream.indirect_vreg.gather [hbm4b:s1+s4], $0x80, v4, vm0, $0xb8;
	[tilespmem:$0x10400] =	vst v63  }
0x573: {  	s20 =	simm.s32 $0x4C00  }
0x574: {  	[tilespmem:s20], [sflag:$0x1] =	stream.indirect_vreg.gather [hbm4b:s1+s4], $0x80, v3, vm0, $0xb8;
	[tilespmem:$0x10400] =	vst v63  }
0x575: {  	v3 =	vld [tilespmem:$0x3D0];
	_ =	sdelay $0x4  }
0x576: {  	v53 =	vshll.u32 v3, $0x1  }
0x577: {  	v3 =	vand.u32 $0x7, v3;
	v4 =	vand.u32 $0xFFFFFFF0, v53  }
0x578: {  	v3 =	vor.u32 v3, v4  }
0x579: {  	v4 =	vperm.xlane v3, v0;
	_ =	sdelay $0x1  }
0x57a: {  	v3 =	vperm.xlane v3, v2;
	v4 =	vadd.s32 v1, v4;
	_ =	sdelay $0x1  }
0x57b: {  	v3 =	vadd.s32 v1, v3;
	_ =	sdelay $0x1  }
0x57c: {  	s24 =	simm.s32 $0x5400  }
0x57d: {  	[tilespmem:s24], [sflag:$0x1] =	stream.indirect_vreg.gather [hbm4b:s1+s4], $0x80, v4, vm0, $0xb8;
	[tilespmem:$0x10400] =	vst v63  }
0x57e: {  	s24 =	simm.s32 $0x5C00  }
0x57f: {  	[tilespmem:s24], [sflag:$0x1] =	stream.indirect_vreg.gather [hbm4b:s1+s4], $0x80, v3, vm0, $0xb8;
	[tilespmem:$0x10400] =	vst v63  }
0x580: {  	v3 =	vld [tilespmem:$0x3E0];
	_ =	sdelay $0x4  }
0x581: {  	v54 =	vshll.u32 v3, $0x1  }
0x582: {  	v3 =	vand.u32 $0x7, v3;
	v4 =	vand.u32 $0xFFFFFFF0, v54  }
0x583: {  	v3 =	vor.u32 v3, v4  }
0x584: {  	v4 =	vperm.xlane v3, v0;
	_ =	sdelay $0x1  }
0x585: {  	v3 =	vperm.xlane v3, v2;
	v4 =	vadd.s32 v1, v4;
	_ =	sdelay $0x1  }
0x586: {  	v3 =	vadd.s32 v1, v3;
	_ =	sdelay $0x1  }
0x587: {  	s25 =	simm.s32 $0x6400  }
0x588: {  	[tilespmem:s25], [sflag:$0x1] =	stream.indirect_vreg.gather [hbm4b:s1+s4], $0x80, v4, vm0, $0xb8;
	[tilespmem:$0x10400] =	vst v63  }
0x589: {  	s26 =	simm.s32 $0x6C00  }
0x58a: {  	[tilespmem:s26], [sflag:$0x1] =	stream.indirect_vreg.gather [hbm4b:s1+s4], $0x80, v3, vm0, $0xb8;
	[tilespmem:$0x10400] =	vst v63  }
0x58b: {  	v3 =	vld [tilespmem:$0x3F0];
	_ =	sdelay $0x4  }
0x58c: {  	v55 =	vshll.u32 v3, $0x1  }
0x58d: {  	v3 =	vand.u32 $0x7, v3;
	v4 =	vand.u32 $0xFFFFFFF0, v55  }
0x58e: {  	v3 =	vor.u32 v3, v4  }
0x58f: {  	v4 =	vperm.xlane v3, v0;
	_ =	sdelay $0x1  }
0x590: {  	v3 =	vperm.xlane v3, v2;
	v4 =	vadd.s32 v1, v4;
	_ =	sdelay $0x1  }
0x591: {  	v3 =	vadd.s32 v1, v3;
	_ =	sdelay $0x1  }
0x592: {  	s28 =	simm.s32 $0x7400  }
0x593: {  	[tilespmem:s28], [sflag:$0x1] =	stream.indirect_vreg.gather [hbm4b:s1+s4], $0x80, v4, vm0, $0xb8;
	[tilespmem:$0x10400] =	vst v63  }
0x594: {  	s12 =	simm.s32 $0x7C00  }
0x595: {  	[tilespmem:s12], [sflag:$0x1] =	stream.indirect_vreg.gather [hbm4b:s1+s4], $0x80, v3, vm0, $0xb8;
	[tilespmem:$0x10400] =	vst v63  }
0x596: {  	v3 =	vld [tilespmem:$0x380];
	_ =	sdelay $0x4  }
0x597: {  	v56 =	vshll.u32 v3, $0x1  }
0x598: {  	v3 =	vand.u32 $0x7, v3;
	v4 =	vand.u32 $0xFFFFFFF0, v56  }
0x599: {  	v3 =	vor.u32 v3, v4  }
0x59a: {  	v4 =	vperm.xlane v3, v0;
	_ =	sdelay $0x1  }
0x59b: {  	v3 =	vperm.xlane v3, v2;
	v4 =	vadd.s32 v1, v4;
	_ =	sdelay $0x1  }
0x59c: {  	v3 =	vadd.s32 v1, v3;
	_ =	sdelay $0x2  }
0x59d: {  	[tilespmem:s23], [sflag:$0x1] =	stream.indirect_vreg.gather [hbm4b:s2+s4], $0x80, v4, vm0, $0xb8;
	[tilespmem:$0x10400] =	vst v63  }
0x59e: {  	s5 =	simm.s32 $0x8C00  }
0x59f: {  	[tilespmem:s5], [sflag:$0x1] =	stream.indirect_vreg.gather [hbm4b:s2+s4], $0x80, v3, vm0, $0xb8;
	[tilespmem:$0x10400] =	vst v63  }
0x5a0: {  	v3 =	vld [tilespmem:$0x390];
	_ =	sdelay $0x4  }
0x5a1: {  	v57 =	vshll.u32 v3, $0x1  }
0x5a2: {  	v3 =	vand.u32 $0x7, v3;
	v4 =	vand.u32 $0xFFFFFFF0, v57  }
0x5a3: {  	v3 =	vor.u32 v3, v4  }
0x5a4: {  	v4 =	vperm.xlane v3, v0;
	_ =	sdelay $0x1  }
0x5a5: {  	v3 =	vperm.xlane v3, v2;
	v4 =	vadd.s32 v1, v4;
	_ =	sdelay $0x1  }
0x5a6: {  	v3 =	vadd.s32 v1, v3;
	_ =	sdelay $0x1  }
0x5a7: {  	s21 =	simm.s32 $0x9400  }
0x5a8: {  	[tilespmem:s21], [sflag:$0x1] =	stream.indirect_vreg.gather [hbm4b:s2+s4], $0x80, v4, vm0, $0xb8;
	[tilespmem:$0x10400] =	vst v63  }
0x5a9: {  	s30 =	simm.s32 $0x9C00  }
0x5aa: {  	[tilespmem:s30], [sflag:$0x1] =	stream.indirect_vreg.gather [hbm4b:s2+s4], $0x80, v3, vm0, $0xb8;
	[tilespmem:$0x10400] =	vst v63  }
0x5ab: {  	v3 =	vld [tilespmem:$0x3A0];
	_ =	sdelay $0x4  }
0x5ac: {  	v58 =	vshll.u32 v3, $0x1  }
0x5ad: {  	v3 =	vand.u32 $0x7, v3;
	v4 =	vand.u32 $0xFFFFFFF0, v58  }
0x5ae: {  	v3 =	vor.u32 v3, v4  }
0x5af: {  	v4 =	vperm.xlane v3, v0;
	_ =	sdelay $0x1  }
0x5b0: {  	v3 =	vperm.xlane v3, v2;
	v4 =	vadd.s32 v1, v4;
	_ =	sdelay $0x1  }
0x5b1: {  	v3 =	vadd.s32 v1, v3;
	_ =	sdelay $0x1  }
0x5b2: {  	s29 =	simm.s32 $0xA400  }
0x5b3: {  	[tilespmem:s29], [sflag:$0x1] =	stream.indirect_vreg.gather [hbm4b:s2+s4], $0x80, v4, vm0, $0xb8;
	[tilespmem:$0x10400] =	vst v63  }
0x5b4: {  	s8 =	simm.s32 $0xAC00  }
0x5b5: {  	[tilespmem:s8], [sflag:$0x1] =	stream.indirect_vreg.gather [hbm4b:s2+s4], $0x80, v3, vm0, $0xb8;
	[tilespmem:$0x10400] =	vst v63  }
0x5b6: {  	v3 =	vld [tilespmem:$0x3B0];
	_ =	sdelay $0x4  }
0x5b7: {  	v59 =	vshll.u32 v3, $0x1  }
0x5b8: {  	v3 =	vand.u32 $0x7, v3;
	v4 =	vand.u32 $0xFFFFFFF0, v59  }
0x5b9: {  	v3 =	vor.u32 v3, v4  }
0x5ba: {  	v4 =	vperm.xlane v3, v0;
	_ =	sdelay $0x1  }
0x5bb: {  	v3 =	vperm.xlane v3, v2;
	v4 =	vadd.s32 v1, v4;
	_ =	sdelay $0x1  }
0x5bc: {  	v3 =	vadd.s32 v1, v3;
	_ =	sdelay $0x1  }
0x5bd: {  	s17 =	simm.s32 $0xB400  }
0x5be: {  	[tilespmem:s17], [sflag:$0x1] =	stream.indirect_vreg.gather [hbm4b:s2+s4], $0x80, v4, vm0, $0xb8;
	[tilespmem:$0x10400] =	vst v63  }
0x5bf: {  	s31 =	simm.s32 $0xBC00  }
0x5c0: {  	[tilespmem:s31], [sflag:$0x1] =	stream.indirect_vreg.gather [hbm4b:s2+s4], $0x80, v3, vm0, $0xb8;
	[tilespmem:$0x10400] =	vst v63  }
0x5c1: {  	v3 =	vld [tilespmem:$0x3C0];
	_ =	sdelay $0x4  }
0x5c2: {  	v60 =	vshll.u32 v3, $0x1  }
0x5c3: {  	v3 =	vand.u32 $0x7, v3;
	v4 =	vand.u32 $0xFFFFFFF0, v60  }
0x5c4: {  	v3 =	vor.u32 v3, v4  }
0x5c5: {  	v4 =	vperm.xlane v3, v0;
	_ =	sdelay $0x1  }
0x5c6: {  	v3 =	vperm.xlane v3, v2;
	v4 =	vadd.s32 v1, v4;
	_ =	sdelay $0x1  }
0x5c7: {  	v3 =	vadd.s32 v1, v3;
	_ =	sdelay $0x1  }
0x5c8: {  	s13 =	simm.s32 $0xC400  }
0x5c9: {  	[tilespmem:s13], [sflag:$0x1] =	stream.indirect_vreg.gather [hbm4b:s2+s4], $0x80, v4, vm0, $0xb8;
	[tilespmem:$0x10400] =	vst v63  }
0x5ca: {  	s10 =	simm.s32 $0xCC00  }
0x5cb: {  	[tilespmem:s10], [sflag:$0x1] =	stream.indirect_vreg.gather [hbm4b:s2+s4], $0x80, v3, vm0, $0xb8;
	[tilespmem:$0x10400] =	vst v63  }
0x5cc: {  	v3 =	vld [tilespmem:$0x3D0];
	_ =	sdelay $0x4  }
0x5cd: {  	v61 =	vshll.u32 v3, $0x1  }
0x5ce: {  	v3 =	vand.u32 $0x7, v3;
	v4 =	vand.u32 $0xFFFFFFF0, v61  }
0x5cf: {  	v3 =	vor.u32 v3, v4  }
0x5d0: {  	v4 =	vperm.xlane v3, v0;
	_ =	sdelay $0x1  }
0x5d1: {  	v3 =	vperm.xlane v3, v2;
	v4 =	vadd.s32 v1, v4;
	_ =	sdelay $0x1  }
0x5d2: {  	v3 =	vadd.s32 v1, v3;
	_ =	sdelay $0x1  }
0x5d3: {  	s29 =	simm.s32 $0xD400  }
0x5d4: {  	[tilespmem:s29], [sflag:$0x1] =	stream.indirect_vreg.gather [hbm4b:s2+s4], $0x80, v4, vm0, $0xb8;
	[tilespmem:$0x10400] =	vst v63  }
0x5d5: {  	s18 =	simm.s32 $0xDC00  }
0x5d6: {  	[tilespmem:s18], [sflag:$0x1] =	stream.indirect_vreg.gather [hbm4b:s2+s4], $0x80, v3, vm0, $0xb8;
	[tilespmem:$0x10400] =	vst v63  }
0x5d7: {  	v3 =	vld [tilespmem:$0x3E0];
	_ =	sdelay $0x4  }
0x5d8: {  	v62 =	vshll.u32 v3, $0x1  }
0x5d9: {  	v3 =	vand.u32 $0x7, v3;
	v4 =	vand.u32 $0xFFFFFFF0, v62  }
0x5da: {  	v3 =	vor.u32 v3, v4  }
0x5db: {  	v4 =	vperm.xlane v3, v0;
	_ =	sdelay $0x1  }
0x5dc: {  	v3 =	vperm.xlane v3, v2;
	v4 =	vadd.s32 v1, v4;
	_ =	sdelay $0x1  }
0x5dd: {  	v3 =	vadd.s32 v1, v3;
	_ =	sdelay $0x1  }
0x5de: {  	s16 =	simm.s32 $0xE400  }
0x5df: {  	[tilespmem:s16], [sflag:$0x1] =	stream.indirect_vreg.gather [hbm4b:s2+s4], $0x80, v4, vm0, $0xb8;
	[tilespmem:$0x10400] =	vst v63  }
0x5e0: {  	s11 =	simm.s32 $0xEC00  }
0x5e1: {  	[tilespmem:s11], [sflag:$0x1] =	stream.indirect_vreg.gather [hbm4b:s2+s4], $0x80, v3, vm0, $0xb8;
	[tilespmem:$0x10400] =	vst v63  }
0x5e2: {  	v3 =	vld [tilespmem:$0x3F0];
	_ =	sdelay $0x4  }
0x5e3: {  	v63 =	vshll.u32 v3, $0x1  }
0x5e4: {  	v3 =	vand.u32 $0x7, v3;
	v4 =	vand.u32 $0xFFFFFFF0, v63  }
0x5e5: {  	v3 =	vor.u32 v3, v4  }
0x5e6: {  	v4 =	vperm.xlane v3, v0;
	_ =	sdelay $0x1  }
0x5e7: {  	v3 =	vperm.xlane v3, v2;
	v4 =	vadd.s32 v1, v4;
	_ =	sdelay $0x1  }
0x5e8: {  	v3 =	vadd.s32 v1, v3;
	_ =	sdelay $0x1  }
0x5e9: {  	s9 =	simm.s32 $0xF400  }
0x5ea: {  	[tilespmem:s9], [sflag:$0x1] =	stream.indirect_vreg.gather [hbm4b:s2+s4], $0x80, v4, vm0, $0xb8;
	[tilespmem:$0x10400] =	vst v63  }
0x5eb: {  	s3 =	simm.s32 $0xFC00  }
0x5ec: {  	[tilespmem:s3], [sflag:$0x1] =	stream.indirect_vreg.gather [hbm4b:s2+s4], $0x80, v3, vm0, $0xb8;
	[tilespmem:$0x10400] =	vst v63  }
0x5ed: {  	s22 =	rddreg [dreg:$0x17];
	_ =	swait.ge [sflag:s14], $0x8000  }
0x5ee: {  	[sflag:s14] =	ssyncset.done $0x0  }
0x5ef: {  	[sflag:s14] =	ssyncadd.s32 $0xFFFF8000  }
0x5f0: {  	_ =	swait.ge [sflag:s14], $0x8000  }
0x5f1: {  	[sflag:s14] =	ssyncset.done $0x0  }
0x5f2: {  	s30 =	rddreg [dreg:$0x15];
	[sflag:s14] =	ssyncadd.s32 $0xFFFF8000  }
0x5f3: {  	[hbm4b:s30+s4] =	stream.linear.scatter [tilespmem:s7], [sflag:$0x2], $0x8000, $0x38;
	[tilespmem:$0x10400] =	vst v63  }
0x5f4: {  	_ =	swait.ge [sflag:s6], $0x8000  }
0x5f5: {  	p0 =	sne.s32 s22, $0x1;
	[sflag:s6] =	ssyncset.done $0x0  }
.Ltmp0:
0x5f6: {  	s31 =	rddreg [dreg:$0x16];
	[sflag:s6] =	ssyncadd.s32 $0xFFFF8000;
	(pc) =	sbr.rel @p0 .LBB2_1-.Ltmp0, $4  }
0x5f7: {  	[hbm4b:s31+s4] =	stream.linear.scatter [tilespmem:s23], [sflag:$0x2], $0x8000, $0x38;
	[tilespmem:$0x10400] =	vst v63  }
0x5f8: {  	_ =	swait.ge [sflag:s6], $0x8000  }
0x5f9: {  	[sflag:s6] =	ssyncset.done $0x0  }
0x5fa: {  	s0 =	sadd.s32 $0xFFFFFFFF, s22;
	[sflag:s6] =	ssyncadd.s32 $0xFFFF8000  }
0x5fb: {  	_ =	sfence.sel $0x180000  }
0x5fc: {  	[bflag:$0x0] =	sbarrier.arrive $0xFFFF  }
0x5fd: {  	_ =	strace $0x90000047  }
0x5fe: {  	s0 =	stileid.u32;
	[bflag:$0x2] =	sbarrier.arrive $0xFFFF  }
0x5ff: {  	p0 =	sne.s32 s0, $0x0;
	s0 =	rddreg [dreg:$0x5]  }
0x600: {  	s0 =	sadd.s32 @!p0 $0x100000, s0  }
0x601: {  	[sflag:s0] =	ssyncadd.tile.s32 @!p0 $0x1;
	_ =	shalt  }
.Lfunc_end2:
_tile_overlayer_lowered:
.L_overlay_start_2:
0x602: {  	(tag) =	ssettag $0x2  }
0x603: {  	s0 =	rddreg [dreg:$0x0];
	s2 =	stileid.u32  }
0x604: {  	s1 =	rddreg [dreg:$0x1];
	p0 =	sne.s32 s2, $0x0  }
0x605: {  	s3 =	rddreg [dreg:$0x2];
	[bflag:$0x3] =	sbarrier.arrive $0xFFFF;
	s2 =	simm.s32 @!p0 $0x1C02  }
0x606: {  	[timem:s3], [sflag:s2] =	dma.local @!p0 [hbm:s0], s1  }
0x607: {  	s0 =	simm.s32 @!p0 $0x2  }
0x608: {  	_ =	swait.ge @!p0 [sflag:s0], s1  }
0x609: {  	s1 =	ssub.s32 @!p0 $0x0, s1;
	[sflag:s0] =	ssyncset.done @!p0 $0x0  }
0x60a: {  	[sflag:s0] =	ssyncadd.s32 @!p0 s1  }
0x60b: {  	[bflag:$0x3] =	sbarrier.arrive $0xFFFF  }
0x60c: {  	_ =	shalt  }

</sc_bundles>
